<compile_context>
chip_gen: v7x
topology: tpu7x:2x2x1
jax: 0.10.2.dev20260603
libtpu: 0.0.44.dev20260713+nightly
codegen_flags: <defaults>
</compile_context>

<pallas_src>
import functools

import jax
import jax.numpy as jnp
from jax import lax
from jax.experimental import pallas as pl
from jax.experimental.pallas import tpu as pltpu
from jax.experimental.pallas import tpu_sc as plsc

B, S, H = 2, 2048, 1024
E = 8
TOPK = 2
I = 2048
T = B * S
N = T * TOPK
BT = 128
PR = N + E * BT
NB = PR // BT
BS = 256

NW = 32
G_ROWS = PR // NW
G_CH = 96
C_TOK = T // NW
C_CH = 32

def _ffn(x_bf, wg, wu, wd):
    nn = (((1,), (0,)), ((), ()))
    g = lax.dot_general(x_bf, wg, nn, preferred_element_type=jnp.float32)
    u = lax.dot_general(x_bf, wu, nn, preferred_element_type=jnp.float32)
    h = (g * jax.nn.sigmoid(g) * u).astype(jnp.bfloat16)
    return lax.dot_general(h, wd, nn, preferred_element_type=jnp.float32)


@functools.cache
def _sc_kernels():
    mesh = plsc.VectorSubcoreMesh(core_axis_name="c", subcore_axis_name="s")

    @functools.partial(
        pl.kernel, mesh=mesh,
        out_type=jax.ShapeDtypeStruct((PR, H), jnp.float32),
        scratch_types=[
            pltpu.VMEM((G_CH,), jnp.int32),
            pltpu.VMEM((G_CH, H), jnp.float32),
            pltpu.SemaphoreType.DMA,
        ],
    )
    def sc_gather(x_hbm, tok_hbm, out_hbm, idx_v, rows_v, sem):
        wid = lax.axis_index("s") * 2 + lax.axis_index("c")
        base0 = wid * G_ROWS
        for j in range(G_ROWS // G_CH):
            base = base0 + j * G_CH
            pltpu.sync_copy(tok_hbm.at[pl.ds(base, G_CH)], idx_v)
            pltpu.async_copy(x_hbm.at[idx_v], rows_v, sem).wait()
            pltpu.sync_copy(rows_v, out_hbm.at[pl.ds(base, G_CH)])

    @functools.partial(
        pl.kernel, mesh=mesh,
        out_type=jax.ShapeDtypeStruct((T, H), jnp.float32),
        scratch_types=[
            pltpu.VMEM((2 * C_CH,), jnp.int32),
            pltpu.VMEM((2 * C_CH, H), jnp.float32),
            pltpu.VMEM((C_CH, H), jnp.float32),
            pltpu.SemaphoreType.DMA,
        ],
    )
    def sc_combine(sh_hbm, ys_hbm, dest_hbm, out_hbm, idx_v, rows_v, acc_v, sem):
        wid = lax.axis_index("s") * 2 + lax.axis_index("c")
        t0 = wid * C_TOK

        def chunk(j, _):
            tb = t0 + j * C_CH
            pltpu.sync_copy(dest_hbm.at[pl.ds(tb * 2, 2 * C_CH)], idx_v)
            pltpu.async_copy(ys_hbm.at[idx_v], rows_v, sem).wait()
            pltpu.sync_copy(sh_hbm.at[pl.ds(tb, C_CH)], acc_v)

            def tok(t, _):
                def col(c, _):
                    o = pl.ds(c * 16, 16)
                    acc_v[t, o] = acc_v[t, o] + rows_v[2 * t, o] + rows_v[2 * t + 1, o]
                    return 0
                return lax.fori_loop(0, H // 16, col, 0)

            lax.fori_loop(0, C_CH, tok, 0)
            pltpu.sync_copy(acc_v, out_hbm.at[pl.ds(tb, C_CH)])
            return 0

        lax.fori_loop(0, C_TOK // C_CH, chunk, 0)

    return sc_gather, sc_combine


def _grouped_body(be_ref, xs_ref, wg_ref, wu_ref, wd_ref, w_ref, out_ref):
    y = _ffn(xs_ref[...].astype(jnp.bfloat16), wg_ref[0], wu_ref[0], wd_ref[0])
    out_ref[...] = y * w_ref[...]


_grouped = pl.pallas_call(
    _grouped_body,
    grid_spec=pltpu.PrefetchScalarGridSpec(
        num_scalar_prefetch=1,
        grid=(NB,),
        in_specs=[
            pl.BlockSpec((BT, H), lambda b, be: (b, 0)),
            pl.BlockSpec((1, H, I), lambda b, be: (be[b], 0, 0)),
            pl.BlockSpec((1, H, I), lambda b, be: (be[b], 0, 0)),
            pl.BlockSpec((1, I, H), lambda b, be: (be[b], 0, 0)),
            pl.BlockSpec((BT, 1), lambda b, be: (b, 0)),
        ],
        out_specs=pl.BlockSpec((BT, H), lambda b, be: (b, 0)),
    ),
    out_shape=jax.ShapeDtypeStruct((PR, H), jnp.float32),
)


def _shared_body(x_ref, wg_ref, wu_ref, wd_ref, out_ref):
    out_ref[...] = _ffn(x_ref[...].astype(jnp.bfloat16),
                        wg_ref[...], wu_ref[...], wd_ref[...])


_shared = pl.pallas_call(
    _shared_body,
    grid=(T // BS,),
    in_specs=[
        pl.BlockSpec((BS, H), lambda b: (b, 0)),
        pl.BlockSpec((H, I), lambda b: (0, 0)),
        pl.BlockSpec((H, I), lambda b: (0, 0)),
        pl.BlockSpec((I, H), lambda b: (0, 0)),
    ],
    out_specs=pl.BlockSpec((BS, H), lambda b: (b, 0)),
    out_shape=jax.ShapeDtypeStruct((T, H), jnp.float32),
)


def kernel(x, Wg_s, Wu_s, Wd_s, gate_W, Wg, Wu, Wd):
    x_flat = x.reshape(T, H)

    logits = x_flat @ gate_W.T
    probs = jax.nn.softmax(logits, axis=-1)
    w2, e2 = lax.top_k(probs, TOPK)
    w2 = w2 / (jnp.sum(w2, axis=-1, keepdims=True) + 1e-20)

    ef = e2.reshape(-1)
    wf = w2.reshape(-1)
    onehot = (ef[:, None] == jnp.arange(E, dtype=ef.dtype)[None, :]).astype(jnp.int32)
    csum = jnp.cumsum(onehot, axis=0)
    gsz = csum[-1]
    pos_in_grp = jnp.take_along_axis(csum, ef[:, None], axis=1)[:, 0] - 1
    padded = ((gsz + BT - 1) // BT) * BT
    cpad = jnp.cumsum(padded)
    dest = ((cpad - padded)[ef] + pos_in_grp).astype(jnp.int32)
    tokf = (jnp.arange(N, dtype=jnp.int32) // TOPK).astype(jnp.float32)
    packed = jnp.zeros((PR, 2), jnp.float32).at[dest].set(
        jnp.stack([tokf, wf], axis=1))
    tok_sorted = packed[:, 0].astype(jnp.int32)
    w_sorted = packed[:, 1:2]
    blk = jnp.arange(NB, dtype=jnp.int32) * BT
    be = jnp.minimum(jnp.sum(blk[:, None] >= cpad[None, :], axis=1),
                     E - 1).astype(jnp.int32)

    sc_gather, sc_combine = _sc_kernels()
    xs = sc_gather(x_flat, tok_sorted)

    bf = jnp.bfloat16
    ys = _grouped(be, xs, jnp.swapaxes(Wg, 1, 2).astype(bf),
                  jnp.swapaxes(Wu, 1, 2).astype(bf),
                  jnp.swapaxes(Wd, 1, 2).astype(bf), w_sorted)
    sh = _shared(x_flat, Wg_s.T.astype(bf), Wu_s.T.astype(bf), Wd_s.T.astype(bf))
    out = sc_combine(sh, ys, dest)
    return out.reshape(B, S, H)

# --- scband reference (transcript-rebuilt; emitter-appended) ---
"""Pipeline reference for scband-moefeed-forward-13125420057323 (READ-ONLY COPY).

The authoritative reference and input builder live on the scoring server;
editing this copy changes nothing except your own understanding.
"""

import jax, jax.numpy as jnp
import numpy as np

B, S, H = 2, 2048, 1024
E = 8
TOPK = 2
I = 2048  # moe_intermediate_size


def _ff(x, wg, wu, wd):
    # x: [T, H]; wg, wu: [I, H]; wd: [H, I]  (torch nn.Linear weight layout [out, in])
    return (jax.nn.silu(x @ wg.T) * (x @ wu.T)) @ wd.T


def setup_inputs(seed: int = 0) -> dict:
    key = jax.random.key(seed)
    ks = [jax.random.fold_in(key, i) for i in range(8)]
    x = jax.random.normal(ks[0], (B, S, H), dtype=jnp.float32)
    # shared expert params
    Wg_s = jax.random.normal(ks[1], (I, H), dtype=jnp.float32) * 0.02
    Wu_s = jax.random.normal(ks[2], (I, H), dtype=jnp.float32) * 0.02
    Wd_s = jax.random.normal(ks[3], (H, I), dtype=jnp.float32) * 0.02
    # router gate
    gate_W = jax.random.normal(ks[4], (E, H), dtype=jnp.float32) * 0.02
    # routed experts, stacked
    Wg = jax.random.normal(ks[5], (E, I, H), dtype=jnp.float32) * 0.02
    Wu = jax.random.normal(ks[6], (E, I, H), dtype=jnp.float32) * 0.02
    Wd = jax.random.normal(ks[7], (E, H, I), dtype=jnp.float32) * 0.02
    return {"x": x, "Wg_s": Wg_s, "Wu_s": Wu_s, "Wd_s": Wd_s, "gate_W": gate_W, "Wg": Wg, "Wu": Wu, "Wd": Wd}


def reference(x, Wg_s, Wu_s, Wd_s, gate_W, Wg, Wu, Wd):
    batch_size, seq_len, hidden_size = x.shape
    x_flat = x.reshape(-1, hidden_size)
    T = x_flat.shape[0]
    # shared expert(s)
    shared_output = _ff(x_flat, Wg_s, Wu_s, Wd_s)
    # router
    gate_logits = x_flat @ gate_W.T
    gate_probs = jax.nn.softmax(gate_logits, axis=-1)
    topk_weights, topk_indices = jax.lax.top_k(gate_probs, TOPK)
    topk_weights = topk_weights / (jnp.sum(topk_weights, axis=-1, keepdims=True) + 1e-20)
    # scatter normalized weights into dense [T, E] combine matrix (indices per token are distinct)
    w_full = jnp.zeros((T, E), dtype=x_flat.dtype).at[jnp.arange(T)[:, None], topk_indices].set(topk_weights)
    # routed experts: mathematically identical to torch's masked index_add (weight 0 => no contribution)
    routed_output = jnp.zeros_like(x_flat)
    for e in range(E):
        expert_out = _ff(x_flat, Wg[e], Wu[e], Wd[e])
        routed_output = routed_output + expert_out * w_full[:, e:e + 1]
    final_output = shared_output + routed_output
    return final_output.reshape(batch_size, seq_len, hidden_size)

if __name__ == "__main__":
    import jax
    _d = setup_inputs()
    print(jax.jit(kernel)(*tuple(_d.values())))

</pallas_src>

<mosaic_0001>
#map = affine_map<(d0, d1) -> (0, 0)>
#map1 = affine_map<(d0, d1) -> (0)>
module attributes {stable_mosaic.version = 14 : i64} {
  func.func @sc_combine(%arg0: i32, %arg1: i32, %arg2: memref<4096x1024xf32, #tpu.memory_space<hbm>>, %arg3: memref<9216x1024xf32, #tpu.memory_space<hbm>>, %arg4: memref<8192xi32, #tpu.memory_space<hbm>>, %arg5: memref<4096x1024xf32, #tpu.memory_space<hbm>>, %arg6: memref<64xi32, #tpu.memory_space<vmem>>, %arg7: memref<64x1024xf32, #tpu.memory_space<vmem>>, %arg8: memref<32x1024xf32, #tpu.memory_space<vmem>>, %arg9: memref<!tpu.dma_semaphore, #tpu.memory_space<semaphore_mem>>) attributes {dimension_semantics = [#tpu.dimension_semantics<core_parallel>, #tpu.dimension_semantics<subcore_parallel>], iteration_bounds = array<i64: 2, 16>, scalar_prefetch = 0 : i64, scratch_operands = 4 : i64, tpu.core_type = #tpu.core_type<sc_vector_subcore>, window_params = [{transform_indices = #map}, {transform_indices = #map}, {transform_indices = #map1}, {transform_indices = #map}]} {
    %mul3A = arith.constant 2 : i32
    %mul3A_0 = arith.muli %arg1, %mul3A : i32
    %add3A = arith.addi %mul3A_0, %arg0 : i32
    %mul3A_1 = arith.constant 128 : i32
    %mul3A_2 = arith.muli %add3A, %mul3A_1 : i32
    %scan3A = arith.constant 0 : i32
    %scan3A_3 = arith.constant 0 : i32
    %scan3A_4 = arith.constant 4 : i32
    %scan3A_5 = arith.addi %scan3A_3, %scan3A_4 : i32
    %scan3A_6 = arith.constant 1 : i32
    %scan3A_7 = scf.for %scan3A_9 = %scan3A_3 to %scan3A_5 step %scan3A_6 iter_args(%scan3A_10 = %scan3A) -> (i32)  : i32 {
      %mul3A_11 = arith.constant 32 : i32
      %mul3A_12 = arith.muli %scan3A_9, %mul3A_11 : i32
      %add3A_13 = arith.addi %mul3A_2, %mul3A_12 : i32
      %mul3A_14 = arith.constant 2 : i32
      %mul3A_15 = arith.muli %add3A_13, %mul3A_14 : i32
      "tpu.region"() ({
        %run_scoped3A = tpu.sem_alloc : memref<!tpu.dma_semaphore, #tpu.memory_space<semaphore_mem>>
        %dma_start3A_28 = tpu.memref_slice %arg4[%mul3A_15] : memref<8192xi32, #tpu.memory_space<hbm>> -> memref<64xi32, #tpu.memory_space<hbm>>
        %dma_start3A_29 = tpu.memref_slice %arg4[%mul3A_15] : memref<8192xi32, #tpu.memory_space<hbm>> -> memref<64xi32, #tpu.memory_space<hbm>>
        tpu.enqueue_dma source(%dma_start3A_29 : memref<64xi32, #tpu.memory_space<hbm>>) target(%arg6 : memref<64xi32, #tpu.memory_space<vmem>>) target_semaphore(%run_scoped3A : memref<!tpu.dma_semaphore, #tpu.memory_space<semaphore_mem>>)
        %dma_wait3A_30 = tpu.memref_slice %arg4[%mul3A_15] : memref<8192xi32, #tpu.memory_space<hbm>> -> memref<64xi32, #tpu.memory_space<hbm>>
        %dma_wait3A_31 = tpu.memref_slice %arg4[%mul3A_15] : memref<8192xi32, #tpu.memory_space<hbm>> -> memref<64xi32, #tpu.memory_space<hbm>>
        tpu.wait_dma2 semaphore(%run_scoped3A : memref<!tpu.dma_semaphore, #tpu.memory_space<semaphore_mem>>) src(%dma_wait3A_31 : memref<64xi32, #tpu.memory_space<hbm>>) dst(%arg6 : memref<64xi32, #tpu.memory_space<vmem>>)
        tpu.yield
      }) : () -> ()
      %dma_start3A = arith.constant 0 : i32
      %dma_start3A_16 = arith.constant 0 : i32
      %dma_start3A_17 = tpu.memref_slice %arg3[%dma_start3A, %dma_start3A_16] : memref<9216x1024xf32, #tpu.memory_space<hbm>> -> memref<9216x1024xf32, #tpu.memory_space<hbm>>
      tpu.enqueue_indirect_dma source(%dma_start3A_17 : memref<9216x1024xf32, #tpu.memory_space<hbm>>) target(%arg7 : memref<64x1024xf32, #tpu.memory_space<vmem>>) offsets(%arg6 : memref<64xi32, #tpu.memory_space<vmem>>) semaphore(%arg9 : memref<!tpu.dma_semaphore, #tpu.memory_space<semaphore_mem>>)
      %dma_wait3A = arith.constant 0 : i32
      %dma_wait3A_18 = arith.constant 0 : i32
      %dma_wait3A_19 = tpu.memref_slice %arg3[%dma_wait3A, %dma_wait3A_18] : memref<9216x1024xf32, #tpu.memory_space<hbm>> -> memref<9216x1024xf32, #tpu.memory_space<hbm>>
      tpu.wait_indirect_dma semaphore(%arg9 : memref<!tpu.dma_semaphore, #tpu.memory_space<semaphore_mem>>) src(%dma_wait3A_19 : memref<9216x1024xf32, #tpu.memory_space<hbm>>) dst(%arg7 : memref<64x1024xf32, #tpu.memory_space<vmem>>)
      "tpu.region"() ({
        %run_scoped3A = tpu.sem_alloc : memref<!tpu.dma_semaphore, #tpu.memory_space<semaphore_mem>>
        %dma_start3A_28 = arith.constant 0 : i32
        %dma_start3A_29 = tpu.memref_slice %arg2[%add3A_13, %dma_start3A_28] : memref<4096x1024xf32, #tpu.memory_space<hbm>> -> memref<32x1024xf32, #tpu.memory_space<hbm>>
        %dma_start3A_30 = arith.constant 0 : i32
        %dma_start3A_31 = tpu.memref_slice %arg2[%add3A_13, %dma_start3A_30] : memref<4096x1024xf32, #tpu.memory_space<hbm>> -> memref<32x1024xf32, #tpu.memory_space<hbm>>
        tpu.enqueue_dma source(%dma_start3A_31 : memref<32x1024xf32, #tpu.memory_space<hbm>>) target(%arg8 : memref<32x1024xf32, #tpu.memory_space<vmem>>) target_semaphore(%run_scoped3A : memref<!tpu.dma_semaphore, #tpu.memory_space<semaphore_mem>>)
        %dma_wait3A_32 = arith.constant 0 : i32
        %dma_wait3A_33 = tpu.memref_slice %arg2[%add3A_13, %dma_wait3A_32] : memref<4096x1024xf32, #tpu.memory_space<hbm>> -> memref<32x1024xf32, #tpu.memory_space<hbm>>
        %dma_wait3A_34 = arith.constant 0 : i32
        %dma_wait3A_35 = tpu.memref_slice %arg2[%add3A_13, %dma_wait3A_34] : memref<4096x1024xf32, #tpu.memory_space<hbm>> -> memref<32x1024xf32, #tpu.memory_space<hbm>>
        tpu.wait_dma2 semaphore(%run_scoped3A : memref<!tpu.dma_semaphore, #tpu.memory_space<semaphore_mem>>) src(%dma_wait3A_35 : memref<32x1024xf32, #tpu.memory_space<hbm>>) dst(%arg8 : memref<32x1024xf32, #tpu.memory_space<vmem>>)
        tpu.yield
      }) : () -> ()
      %scan3A_20 = arith.constant 0 : i32
      %scan3A_21 = arith.constant 0 : i32
      %scan3A_22 = arith.constant 32 : i32
      %scan3A_23 = arith.addi %scan3A_21, %scan3A_22 : i32
      %scan3A_24 = arith.constant 1 : i32
      %scan3A_25 = scf.for %scan3A_28 = %scan3A_21 to %scan3A_23 step %scan3A_24 iter_args(%scan3A_29 = %scan3A_20) -> (i32)  : i32 {
        %scan3A_30 = arith.constant 0 : i32
        %scan3A_31 = arith.constant 0 : i32
        %scan3A_32 = arith.constant 64 : i32
        %scan3A_33 = arith.addi %scan3A_31, %scan3A_32 : i32
        %scan3A_34 = arith.constant 1 : i32
        %scan3A_35 = scf.for %scan3A_37 = %scan3A_31 to %scan3A_33 step %scan3A_34 iter_args(%scan3A_38 = %scan3A_30) -> (i32)  : i32 {
          %mul3A_39 = arith.constant 16 : i32
          %mul3A_40 = arith.muli %scan3A_37, %mul3A_39 : i32
          %get3A = arith.index_cast %scan3A_28 : i32 to index
          %get3A_41 = arith.index_cast %mul3A_40 : i32 to index
          %get3A_42 = tpu.vector_load %arg8[%get3A, %get3A_41] {strides = array<i32>} : memref<32x1024xf32, #tpu.memory_space<vmem>>, vector<1x16xf32>,
          %get3A_43 = vector.shape_cast %get3A_42 : vector<1x16xf32> to vector<16xf32>
          %mul3A_44 = arith.constant 2 : i32
          %mul3A_45 = arith.muli %mul3A_44, %scan3A_28 : i32
          %get3A_46 = arith.index_cast %mul3A_45 : i32 to index
          %get3A_47 = arith.index_cast %mul3A_40 : i32 to index
          %get3A_48 = tpu.vector_load %arg7[%get3A_46, %get3A_47] {strides = array<i32>} : memref<64x1024xf32, #tpu.memory_space<vmem>>, vector<1x16xf32>,
          %get3A_49 = vector.shape_cast %get3A_48 : vector<1x16xf32> to vector<16xf32>
          %add3A_50 = arith.addf %get3A_43, %get3A_49 : vector<16xf32>
          %mul3A_51 = arith.constant 2 : i32
          %mul3A_52 = arith.muli %mul3A_51, %scan3A_28 : i32
          %add3A_53 = arith.constant 1 : i32
          %add3A_54 = arith.addi %mul3A_52, %add3A_53 : i32
          %get3A_55 = arith.index_cast %add3A_54 : i32 to index
          %get3A_56 = arith.index_cast %mul3A_40 : i32 to index
          %get3A_57 = tpu.vector_load %arg7[%get3A_55, %get3A_56] {strides = array<i32>} : memref<64x1024xf32, #tpu.memory_space<vmem>>, vector<1x16xf32>,
          %get3A_58 = vector.shape_cast %get3A_57 : vector<1x16xf32> to vector<16xf32>
          %add3A_59 = arith.addf %add3A_50, %get3A_58 : vector<16xf32>
          %swap3A = arith.index_cast %scan3A_28 : i32 to index
          %swap3A_60 = arith.index_cast %mul3A_40 : i32 to index
          %swap3A_61 = tpu.vector_load %arg8[%swap3A, %swap3A_60] {strides = array<i32>} : memref<32x1024xf32, #tpu.memory_space<vmem>>, vector<1x16xf32>,
          %swap3A_62 = vector.shape_cast %swap3A_61 : vector<1x16xf32> to vector<16xf32>
          %swap3A_63 = vector.shape_cast %add3A_59 : vector<16xf32> to vector<1x16xf32>
          tpu.vector_store %arg8[%swap3A, %swap3A_60], %swap3A_63 {strides = array<i32>} : memref<32x1024xf32, #tpu.memory_space<vmem>>, vector<1x16xf32>,
          %scan3A_64 = arith.constant 0 : i32
          scf.yield %scan3A_64 : i32
        }
        %scan3A_36 = arith.constant 64 : i32
        scf.yield %scan3A_35 : i32
      }
      %scan3A_26 = arith.constant 32 : i32
      "tpu.region"() ({
        %run_scoped3A = tpu.sem_alloc : memref<!tpu.dma_semaphore, #tpu.memory_space<semaphore_mem>>
        %dma_start3A_28 = arith.constant 0 : i32
        %dma_start3A_29 = tpu.memref_slice %arg5[%add3A_13, %dma_start3A_28] : memref<4096x1024xf32, #tpu.memory_space<hbm>> -> memref<32x1024xf32, #tpu.memory_space<hbm>>
        %dma_start3A_30 = arith.constant 0 : i32
        %dma_start3A_31 = tpu.memref_slice %arg5[%add3A_13, %dma_start3A_30] : memref<4096x1024xf32, #tpu.memory_space<hbm>> -> memref<32x1024xf32, #tpu.memory_space<hbm>>
        tpu.enqueue_dma source(%arg8 : memref<32x1024xf32, #tpu.memory_space<vmem>>) target(%dma_start3A_31 : memref<32x1024xf32, #tpu.memory_space<hbm>>) target_semaphore(%run_scoped3A : memref<!tpu.dma_semaphore, #tpu.memory_space<semaphore_mem>>)
        %dma_wait3A_32 = arith.constant 0 : i32
        %dma_wait3A_33 = tpu.memref_slice %arg5[%add3A_13, %dma_wait3A_32] : memref<4096x1024xf32, #tpu.memory_space<hbm>> -> memref<32x1024xf32, #tpu.memory_space<hbm>>
        %dma_wait3A_34 = arith.constant 0 : i32
        %dma_wait3A_35 = tpu.memref_slice %arg5[%add3A_13, %dma_wait3A_34] : memref<4096x1024xf32, #tpu.memory_space<hbm>> -> memref<32x1024xf32, #tpu.memory_space<hbm>>
        tpu.wait_dma2 semaphore(%run_scoped3A : memref<!tpu.dma_semaphore, #tpu.memory_space<semaphore_mem>>) src(%arg8 : memref<32x1024xf32, #tpu.memory_space<vmem>>) dst(%dma_wait3A_35 : memref<32x1024xf32, #tpu.memory_space<hbm>>)
        tpu.yield
      }) : () -> ()
      %scan3A_27 = arith.constant 0 : i32
      scf.yield %scan3A_27 : i32
    }
    %scan3A_8 = arith.constant 4 : i32
    return
  }
}

#map = affine_map<(d0, d1) -> (0, 0)>
#map1 = affine_map<(d0, d1) -> (0)>
module attributes {stable_mosaic.version = 14 : i64} {
  func.func @sc_gather(%arg0: i32, %arg1: i32, %arg2: memref<4096x1024xf32, #tpu.memory_space<hbm>>, %arg3: memref<9216xi32, #tpu.memory_space<hbm>>, %arg4: memref<9216x1024xf32, #tpu.memory_space<hbm>>, %arg5: memref<96xi32, #tpu.memory_space<vmem>>, %arg6: memref<96x1024xf32, #tpu.memory_space<vmem>>, %arg7: memref<!tpu.dma_semaphore, #tpu.memory_space<semaphore_mem>>) attributes {dimension_semantics = [#tpu.dimension_semantics<core_parallel>, #tpu.dimension_semantics<subcore_parallel>], iteration_bounds = array<i64: 2, 16>, scalar_prefetch = 0 : i64, scratch_operands = 3 : i64, tpu.core_type = #tpu.core_type<sc_vector_subcore>, window_params = [{transform_indices = #map}, {transform_indices = #map1}, {transform_indices = #map}]} {
    %mul3A = arith.constant 2 : i32
    %mul3A_0 = arith.muli %arg1, %mul3A : i32
    %add3A = arith.addi %mul3A_0, %arg0 : i32
    %mul3A_1 = arith.constant 288 : i32
    %mul3A_2 = arith.muli %add3A, %mul3A_1 : i32
    %add3A_3 = arith.constant 0 : i32
    %add3A_4 = arith.addi %mul3A_2, %add3A_3 : i32
    "tpu.region"() ({
      %run_scoped3A = tpu.sem_alloc : memref<!tpu.dma_semaphore, #tpu.memory_space<semaphore_mem>>
      %dma_start3A_25 = tpu.memref_slice %arg3[%add3A_4] : memref<9216xi32, #tpu.memory_space<hbm>> -> memref<96xi32, #tpu.memory_space<hbm>>
      %dma_start3A_26 = tpu.memref_slice %arg3[%add3A_4] : memref<9216xi32, #tpu.memory_space<hbm>> -> memref<96xi32, #tpu.memory_space<hbm>>
      tpu.enqueue_dma source(%dma_start3A_26 : memref<96xi32, #tpu.memory_space<hbm>>) target(%arg5 : memref<96xi32, #tpu.memory_space<vmem>>) target_semaphore(%run_scoped3A : memref<!tpu.dma_semaphore, #tpu.memory_space<semaphore_mem>>)
      %dma_wait3A_27 = tpu.memref_slice %arg3[%add3A_4] : memref<9216xi32, #tpu.memory_space<hbm>> -> memref<96xi32, #tpu.memory_space<hbm>>
      %dma_wait3A_28 = tpu.memref_slice %arg3[%add3A_4] : memref<9216xi32, #tpu.memory_space<hbm>> -> memref<96xi32, #tpu.memory_space<hbm>>
      tpu.wait_dma2 semaphore(%run_scoped3A : memref<!tpu.dma_semaphore, #tpu.memory_space<semaphore_mem>>) src(%dma_wait3A_28 : memref<96xi32, #tpu.memory_space<hbm>>) dst(%arg5 : memref<96xi32, #tpu.memory_space<vmem>>)
      tpu.yield
    }) : () -> ()
    %dma_start3A = arith.constant 0 : i32
    %dma_start3A_5 = arith.constant 0 : i32
    %dma_start3A_6 = tpu.memref_slice %arg2[%dma_start3A, %dma_start3A_5] : memref<4096x1024xf32, #tpu.memory_space<hbm>> -> memref<4096x1024xf32, #tpu.memory_space<hbm>>
    tpu.enqueue_indirect_dma source(%dma_start3A_6 : memref<4096x1024xf32, #tpu.memory_space<hbm>>) target(%arg6 : memref<96x1024xf32, #tpu.memory_space<vmem>>) offsets(%arg5 : memref<96xi32, #tpu.memory_space<vmem>>) semaphore(%arg7 : memref<!tpu.dma_semaphore, #tpu.memory_space<semaphore_mem>>)
    %dma_wait3A = arith.constant 0 : i32
    %dma_wait3A_7 = arith.constant 0 : i32
    %dma_wait3A_8 = tpu.memref_slice %arg2[%dma_wait3A, %dma_wait3A_7] : memref<4096x1024xf32, #tpu.memory_space<hbm>> -> memref<4096x1024xf32, #tpu.memory_space<hbm>>
    tpu.wait_indirect_dma semaphore(%arg7 : memref<!tpu.dma_semaphore, #tpu.memory_space<semaphore_mem>>) src(%dma_wait3A_8 : memref<4096x1024xf32, #tpu.memory_space<hbm>>) dst(%arg6 : memref<96x1024xf32, #tpu.memory_space<vmem>>)
    "tpu.region"() ({
      %run_scoped3A = tpu.sem_alloc : memref<!tpu.dma_semaphore, #tpu.memory_space<semaphore_mem>>
      %dma_start3A_25 = arith.constant 0 : i32
      %dma_start3A_26 = tpu.memref_slice %arg4[%add3A_4, %dma_start3A_25] : memref<9216x1024xf32, #tpu.memory_space<hbm>> -> memref<96x1024xf32, #tpu.memory_space<hbm>>
      %dma_start3A_27 = arith.constant 0 : i32
      %dma_start3A_28 = tpu.memref_slice %arg4[%add3A_4, %dma_start3A_27] : memref<9216x1024xf32, #tpu.memory_space<hbm>> -> memref<96x1024xf32, #tpu.memory_space<hbm>>
      tpu.enqueue_dma source(%arg6 : memref<96x1024xf32, #tpu.memory_space<vmem>>) target(%dma_start3A_28 : memref<96x1024xf32, #tpu.memory_space<hbm>>) target_semaphore(%run_scoped3A : memref<!tpu.dma_semaphore, #tpu.memory_space<semaphore_mem>>)
      %dma_wait3A_29 = arith.constant 0 : i32
      %dma_wait3A_30 = tpu.memref_slice %arg4[%add3A_4, %dma_wait3A_29] : memref<9216x1024xf32, #tpu.memory_space<hbm>> -> memref<96x1024xf32, #tpu.memory_space<hbm>>
      %dma_wait3A_31 = arith.constant 0 : i32
      %dma_wait3A_32 = tpu.memref_slice %arg4[%add3A_4, %dma_wait3A_31] : memref<9216x1024xf32, #tpu.memory_space<hbm>> -> memref<96x1024xf32, #tpu.memory_space<hbm>>
      tpu.wait_dma2 semaphore(%run_scoped3A : memref<!tpu.dma_semaphore, #tpu.memory_space<semaphore_mem>>) src(%arg6 : memref<96x1024xf32, #tpu.memory_space<vmem>>) dst(%dma_wait3A_32 : memref<96x1024xf32, #tpu.memory_space<hbm>>)
      tpu.yield
    }) : () -> ()
    %add3A_9 = arith.constant 96 : i32
    %add3A_10 = arith.addi %mul3A_2, %add3A_9 : i32
    "tpu.region"() ({
      %run_scoped3A = tpu.sem_alloc : memref<!tpu.dma_semaphore, #tpu.memory_space<semaphore_mem>>
      %dma_start3A_25 = tpu.memref_slice %arg3[%add3A_10] : memref<9216xi32, #tpu.memory_space<hbm>> -> memref<96xi32, #tpu.memory_space<hbm>>
      %dma_start3A_26 = tpu.memref_slice %arg3[%add3A_10] : memref<9216xi32, #tpu.memory_space<hbm>> -> memref<96xi32, #tpu.memory_space<hbm>>
      tpu.enqueue_dma source(%dma_start3A_26 : memref<96xi32, #tpu.memory_space<hbm>>) target(%arg5 : memref<96xi32, #tpu.memory_space<vmem>>) target_semaphore(%run_scoped3A : memref<!tpu.dma_semaphore, #tpu.memory_space<semaphore_mem>>)
      %dma_wait3A_27 = tpu.memref_slice %arg3[%add3A_10] : memref<9216xi32, #tpu.memory_space<hbm>> -> memref<96xi32, #tpu.memory_space<hbm>>
      %dma_wait3A_28 = tpu.memref_slice %arg3[%add3A_10] : memref<9216xi32, #tpu.memory_space<hbm>> -> memref<96xi32, #tpu.memory_space<hbm>>
      tpu.wait_dma2 semaphore(%run_scoped3A : memref<!tpu.dma_semaphore, #tpu.memory_space<semaphore_mem>>) src(%dma_wait3A_28 : memref<96xi32, #tpu.memory_space<hbm>>) dst(%arg5 : memref<96xi32, #tpu.memory_space<vmem>>)
      tpu.yield
    }) : () -> ()
    %dma_start3A_11 = arith.constant 0 : i32
    %dma_start3A_12 = arith.constant 0 : i32
    %dma_start3A_13 = tpu.memref_slice %arg2[%dma_start3A_11, %dma_start3A_12] : memref<4096x1024xf32, #tpu.memory_space<hbm>> -> memref<4096x1024xf32, #tpu.memory_space<hbm>>
    tpu.enqueue_indirect_dma source(%dma_start3A_13 : memref<4096x1024xf32, #tpu.memory_space<hbm>>) target(%arg6 : memref<96x1024xf32, #tpu.memory_space<vmem>>) offsets(%arg5 : memref<96xi32, #tpu.memory_space<vmem>>) semaphore(%arg7 : memref<!tpu.dma_semaphore, #tpu.memory_space<semaphore_mem>>)
    %dma_wait3A_14 = arith.constant 0 : i32
    %dma_wait3A_15 = arith.constant 0 : i32
    %dma_wait3A_16 = tpu.memref_slice %arg2[%dma_wait3A_14, %dma_wait3A_15] : memref<4096x1024xf32, #tpu.memory_space<hbm>> -> memref<4096x1024xf32, #tpu.memory_space<hbm>>
    tpu.wait_indirect_dma semaphore(%arg7 : memref<!tpu.dma_semaphore, #tpu.memory_space<semaphore_mem>>) src(%dma_wait3A_16 : memref<4096x1024xf32, #tpu.memory_space<hbm>>) dst(%arg6 : memref<96x1024xf32, #tpu.memory_space<vmem>>)
    "tpu.region"() ({
      %run_scoped3A = tpu.sem_alloc : memref<!tpu.dma_semaphore, #tpu.memory_space<semaphore_mem>>
      %dma_start3A_25 = arith.constant 0 : i32
      %dma_start3A_26 = tpu.memref_slice %arg4[%add3A_10, %dma_start3A_25] : memref<9216x1024xf32, #tpu.memory_space<hbm>> -> memref<96x1024xf32, #tpu.memory_space<hbm>>
      %dma_start3A_27 = arith.constant 0 : i32
      %dma_start3A_28 = tpu.memref_slice %arg4[%add3A_10, %dma_start3A_27] : memref<9216x1024xf32, #tpu.memory_space<hbm>> -> memref<96x1024xf32, #tpu.memory_space<hbm>>
      tpu.enqueue_dma source(%arg6 : memref<96x1024xf32, #tpu.memory_space<vmem>>) target(%dma_start3A_28 : memref<96x1024xf32, #tpu.memory_space<hbm>>) target_semaphore(%run_scoped3A : memref<!tpu.dma_semaphore, #tpu.memory_space<semaphore_mem>>)
      %dma_wait3A_29 = arith.constant 0 : i32
      %dma_wait3A_30 = tpu.memref_slice %arg4[%add3A_10, %dma_wait3A_29] : memref<9216x1024xf32, #tpu.memory_space<hbm>> -> memref<96x1024xf32, #tpu.memory_space<hbm>>
      %dma_wait3A_31 = arith.constant 0 : i32
      %dma_wait3A_32 = tpu.memref_slice %arg4[%add3A_10, %dma_wait3A_31] : memref<9216x1024xf32, #tpu.memory_space<hbm>> -> memref<96x1024xf32, #tpu.memory_space<hbm>>
      tpu.wait_dma2 semaphore(%run_scoped3A : memref<!tpu.dma_semaphore, #tpu.memory_space<semaphore_mem>>) src(%arg6 : memref<96x1024xf32, #tpu.memory_space<vmem>>) dst(%dma_wait3A_32 : memref<96x1024xf32, #tpu.memory_space<hbm>>)
      tpu.yield
    }) : () -> ()
    %add3A_17 = arith.constant 192 : i32
    %add3A_18 = arith.addi %mul3A_2, %add3A_17 : i32
    "tpu.region"() ({
      %run_scoped3A = tpu.sem_alloc : memref<!tpu.dma_semaphore, #tpu.memory_space<semaphore_mem>>
      %dma_start3A_25 = tpu.memref_slice %arg3[%add3A_18] : memref<9216xi32, #tpu.memory_space<hbm>> -> memref<96xi32, #tpu.memory_space<hbm>>
      %dma_start3A_26 = tpu.memref_slice %arg3[%add3A_18] : memref<9216xi32, #tpu.memory_space<hbm>> -> memref<96xi32, #tpu.memory_space<hbm>>
      tpu.enqueue_dma source(%dma_start3A_26 : memref<96xi32, #tpu.memory_space<hbm>>) target(%arg5 : memref<96xi32, #tpu.memory_space<vmem>>) target_semaphore(%run_scoped3A : memref<!tpu.dma_semaphore, #tpu.memory_space<semaphore_mem>>)
      %dma_wait3A_27 = tpu.memref_slice %arg3[%add3A_18] : memref<9216xi32, #tpu.memory_space<hbm>> -> memref<96xi32, #tpu.memory_space<hbm>>
      %dma_wait3A_28 = tpu.memref_slice %arg3[%add3A_18] : memref<9216xi32, #tpu.memory_space<hbm>> -> memref<96xi32, #tpu.memory_space<hbm>>
      tpu.wait_dma2 semaphore(%run_scoped3A : memref<!tpu.dma_semaphore, #tpu.memory_space<semaphore_mem>>) src(%dma_wait3A_28 : memref<96xi32, #tpu.memory_space<hbm>>) dst(%arg5 : memref<96xi32, #tpu.memory_space<vmem>>)
      tpu.yield
    }) : () -> ()
    %dma_start3A_19 = arith.constant 0 : i32
    %dma_start3A_20 = arith.constant 0 : i32
    %dma_start3A_21 = tpu.memref_slice %arg2[%dma_start3A_19, %dma_start3A_20] : memref<4096x1024xf32, #tpu.memory_space<hbm>> -> memref<4096x1024xf32, #tpu.memory_space<hbm>>
    tpu.enqueue_indirect_dma source(%dma_start3A_21 : memref<4096x1024xf32, #tpu.memory_space<hbm>>) target(%arg6 : memref<96x1024xf32, #tpu.memory_space<vmem>>) offsets(%arg5 : memref<96xi32, #tpu.memory_space<vmem>>) semaphore(%arg7 : memref<!tpu.dma_semaphore, #tpu.memory_space<semaphore_mem>>)
    %dma_wait3A_22 = arith.constant 0 : i32
    %dma_wait3A_23 = arith.constant 0 : i32
    %dma_wait3A_24 = tpu.memref_slice %arg2[%dma_wait3A_22, %dma_wait3A_23] : memref<4096x1024xf32, #tpu.memory_space<hbm>> -> memref<4096x1024xf32, #tpu.memory_space<hbm>>
    tpu.wait_indirect_dma semaphore(%arg7 : memref<!tpu.dma_semaphore, #tpu.memory_space<semaphore_mem>>) src(%dma_wait3A_24 : memref<4096x1024xf32, #tpu.memory_space<hbm>>) dst(%arg6 : memref<96x1024xf32, #tpu.memory_space<vmem>>)
    "tpu.region"() ({
      %run_scoped3A = tpu.sem_alloc : memref<!tpu.dma_semaphore, #tpu.memory_space<semaphore_mem>>
      %dma_start3A_25 = arith.constant 0 : i32
      %dma_start3A_26 = tpu.memref_slice %arg4[%add3A_18, %dma_start3A_25] : memref<9216x1024xf32, #tpu.memory_space<hbm>> -> memref<96x1024xf32, #tpu.memory_space<hbm>>
      %dma_start3A_27 = arith.constant 0 : i32
      %dma_start3A_28 = tpu.memref_slice %arg4[%add3A_18, %dma_start3A_27] : memref<9216x1024xf32, #tpu.memory_space<hbm>> -> memref<96x1024xf32, #tpu.memory_space<hbm>>
      tpu.enqueue_dma source(%arg6 : memref<96x1024xf32, #tpu.memory_space<vmem>>) target(%dma_start3A_28 : memref<96x1024xf32, #tpu.memory_space<hbm>>) target_semaphore(%run_scoped3A : memref<!tpu.dma_semaphore, #tpu.memory_space<semaphore_mem>>)
      %dma_wait3A_29 = arith.constant 0 : i32
      %dma_wait3A_30 = tpu.memref_slice %arg4[%add3A_18, %dma_wait3A_29] : memref<9216x1024xf32, #tpu.memory_space<hbm>> -> memref<96x1024xf32, #tpu.memory_space<hbm>>
      %dma_wait3A_31 = arith.constant 0 : i32
      %dma_wait3A_32 = tpu.memref_slice %arg4[%add3A_18, %dma_wait3A_31] : memref<9216x1024xf32, #tpu.memory_space<hbm>> -> memref<96x1024xf32, #tpu.memory_space<hbm>>
      tpu.wait_dma2 semaphore(%run_scoped3A : memref<!tpu.dma_semaphore, #tpu.memory_space<semaphore_mem>>) src(%arg6 : memref<96x1024xf32, #tpu.memory_space<vmem>>) dst(%dma_wait3A_32 : memref<96x1024xf32, #tpu.memory_space<hbm>>)
      tpu.yield
    }) : () -> ()
    return
  }
}

module attributes {stable_mosaic.version = 14 : i64} {
  func.func @_shared_body(%arg0: i32, %arg1: memref<256x1024xf32, #tpu.memory_space<vmem>>, %arg2: memref<1024x2048xbf16, #tpu.memory_space<vmem>>, %arg3: memref<1024x2048xbf16, #tpu.memory_space<vmem>>, %arg4: memref<2048x1024xbf16, #tpu.memory_space<vmem>>, %arg5: memref<256x1024xf32, #tpu.memory_space<vmem>>) attributes {dimension_semantics = [#tpu.dimension_semantics<arbitrary>], iteration_bounds = array<i64: 16>, scalar_prefetch = 0 : i64, scratch_operands = 0 : i64, tpu.core_type = #tpu.core_type<tc>, window_params = [{transform_indices = @transform_0, window_bounds = array<i64: 256, 1024>}, {pipeline_mode = #tpu.pipeline_mode<synchronous>, transform_indices = @transform_1, window_bounds = array<i64: 1024, 2048>}, {pipeline_mode = #tpu.pipeline_mode<synchronous>, transform_indices = @transform_2, window_bounds = array<i64: 1024, 2048>}, {pipeline_mode = #tpu.pipeline_mode<synchronous>, transform_indices = @transform_3, window_bounds = array<i64: 2048, 1024>}, {transform_indices = @transform_4, window_bounds = array<i64: 256, 1024>}]} {
    %get3A = arith.constant 0 : index
    %get3A_0 = arith.constant 0 : index
    %get3A_1 = vector.load %arg1[%get3A, %get3A_0] : memref<256x1024xf32, #tpu.memory_space<vmem>>, vector<256x1024xf32>
    %convert_element_type3A = arith.truncf %get3A_1 : vector<256x1024xf32> to vector<256x1024xbf16>
    %get3A_2 = arith.constant 0 : index
    %get3A_3 = arith.constant 0 : index
    %get3A_4 = vector.load %arg2[%get3A_2, %get3A_3] : memref<1024x2048xbf16, #tpu.memory_space<vmem>>, vector<1024x2048xbf16>
    %get3A_5 = arith.constant 0 : index
    %get3A_6 = arith.constant 0 : index
    %get3A_7 = vector.load %arg3[%get3A_5, %get3A_6] : memref<1024x2048xbf16, #tpu.memory_space<vmem>>, vector<1024x2048xbf16>
    %get3A_8 = arith.constant 0 : index
    %get3A_9 = arith.constant 0 : index
    %get3A_10 = vector.load %arg4[%get3A_8, %get3A_9] : memref<2048x1024xbf16, #tpu.memory_space<vmem>>, vector<2048x1024xbf16>
    %dot_general3A = arith.constant dense<0.000000e+00> : vector<256x2048xf32>
    %dot_general3A_11 = tpu.matmul %convert_element_type3A, %get3A_4, %dot_general3A {dimension_numbers = #tpu.dot_dimension_numbers<[1], [0], [0], [1], [0, 0, 1, 1], [], []>, transpose_lhs_hint = false} : vector<256x1024xbf16>, vector<1024x2048xbf16>, vector<256x2048xf32> -> vector<256x2048xf32>
    %dot_general3A_12 = arith.constant dense<0.000000e+00> : vector<256x2048xf32>
    %dot_general3A_13 = tpu.matmul %convert_element_type3A, %get3A_7, %dot_general3A_12 {dimension_numbers = #tpu.dot_dimension_numbers<[1], [0], [0], [1], [0, 0, 1, 1], [], []>, transpose_lhs_hint = false} : vector<256x1024xbf16>, vector<1024x2048xbf16>, vector<256x2048xf32> -> vector<256x2048xf32>
    %logistic3A = arith.negf %dot_general3A_11 : vector<256x2048xf32>
    %logistic3A_14 = math.exp %logistic3A : vector<256x2048xf32>
    %logistic3A_15 = arith.constant 1.000000e+00 : f32
    %logistic3A_16 = vector.broadcast %logistic3A_15 : f32 to vector<256x2048xf32>
    %logistic3A_17 = arith.addf %logistic3A_16, %logistic3A_14 : vector<256x2048xf32>
    %logistic3A_18 = arith.divf %logistic3A_16, %logistic3A_17 : vector<256x2048xf32>
    %mul3A = arith.mulf %dot_general3A_11, %logistic3A_18 : vector<256x2048xf32>
    %mul3A_19 = arith.mulf %mul3A, %dot_general3A_13 : vector<256x2048xf32>
    %convert_element_type3A_20 = arith.truncf %mul3A_19 : vector<256x2048xf32> to vector<256x2048xbf16>
    %dot_general3A_21 = arith.constant dense<0.000000e+00> : vector<256x1024xf32>
    %dot_general3A_22 = tpu.matmul %convert_element_type3A_20, %get3A_10, %dot_general3A_21 {dimension_numbers = #tpu.dot_dimension_numbers<[1], [0], [0], [1], [0, 0, 1, 1], [], []>, transpose_lhs_hint = false} : vector<256x2048xbf16>, vector<2048x1024xbf16>, vector<256x1024xf32> -> vector<256x1024xf32>
    %swap3A = arith.constant 0 : index
    %swap3A_23 = arith.constant 0 : index
    %swap3A_24 = vector.load %arg5[%swap3A, %swap3A_23] : memref<256x1024xf32, #tpu.memory_space<vmem>>, vector<256x1024xf32>
    tpu.vector_store %arg5[%swap3A, %swap3A_23], %dot_general3A_22 {strides = array<i32>} : memref<256x1024xf32, #tpu.memory_space<vmem>>, vector<256x1024xf32>,
    return
  }
  func.func @transform_0(%arg0: i32) -> (i32, i32) {
    %c0_i32 = arith.constant 0 : i32
    %c0_i32_0 = arith.constant 0 : i32
    return %arg0, %c0_i32 : i32, i32
  }
  func.func @transform_1(%arg0: i32) -> (i32, i32) {
    %c0_i32 = arith.constant 0 : i32
    %c0_i32_0 = arith.constant 0 : i32
    %c0_i32_1 = arith.constant 0 : i32
    return %c0_i32, %c0_i32_0 : i32, i32
  }
  func.func @transform_2(%arg0: i32) -> (i32, i32) {
    %c0_i32 = arith.constant 0 : i32
    %c0_i32_0 = arith.constant 0 : i32
    %c0_i32_1 = arith.constant 0 : i32
    return %c0_i32, %c0_i32_0 : i32, i32
  }
  func.func @transform_3(%arg0: i32) -> (i32, i32) {
    %c0_i32 = arith.constant 0 : i32
    %c0_i32_0 = arith.constant 0 : i32
    %c0_i32_1 = arith.constant 0 : i32
    return %c0_i32, %c0_i32_0 : i32, i32
  }
  func.func @transform_4(%arg0: i32) -> (i32, i32) {
    %c0_i32 = arith.constant 0 : i32
    %c0_i32_0 = arith.constant 0 : i32
    return %arg0, %c0_i32 : i32, i32
  }
}

module attributes {stable_mosaic.version = 14 : i64} {
  func.func @_grouped_body(%arg0: i32, %arg1: memref<72xi32, #tpu.memory_space<smem>>, %arg2: memref<128x1024xf32, #tpu.memory_space<vmem>>, %arg3: memref<1x1024x2048xbf16, #tpu.memory_space<vmem>>, %arg4: memref<1x1024x2048xbf16, #tpu.memory_space<vmem>>, %arg5: memref<1x2048x1024xbf16, #tpu.memory_space<vmem>>, %arg6: memref<128x1xf32, #tpu.memory_space<vmem>>, %arg7: memref<128x1024xf32, #tpu.memory_space<vmem>>) attributes {dimension_semantics = [#tpu.dimension_semantics<arbitrary>], iteration_bounds = array<i64: 72>, scalar_prefetch = 1 : i64, scratch_operands = 0 : i64, tpu.core_type = #tpu.core_type<tc>, window_params = [{transform_indices = @transform_0, window_bounds = array<i64: 128, 1024>}, {transform_indices = @transform_1, window_bounds = array<i64: 1, 1024, 2048>}, {transform_indices = @transform_2, window_bounds = array<i64: 1, 1024, 2048>}, {transform_indices = @transform_3, window_bounds = array<i64: 1, 2048, 1024>}, {transform_indices = @transform_4, window_bounds = array<i64: 128, 1>}, {transform_indices = @transform_5, window_bounds = array<i64: 128, 1024>}]} {
    %get3A = arith.constant 0 : index
    %get3A_0 = arith.constant 0 : index
    %get3A_1 = vector.load %arg2[%get3A, %get3A_0] : memref<128x1024xf32, #tpu.memory_space<vmem>>, vector<128x1024xf32>
    %convert_element_type3A = arith.truncf %get3A_1 : vector<128x1024xf32> to vector<128x1024xbf16>
    %get3A_2 = arith.constant 0 : index
    %get3A_3 = arith.constant 0 : index
    %get3A_4 = arith.constant 0 : index
    %get3A_5 = vector.load %arg3[%get3A_2, %get3A_3, %get3A_4] : memref<1x1024x2048xbf16, #tpu.memory_space<vmem>>, vector<1x1024x2048xbf16>
    %get3A_6 = vector.shape_cast %get3A_5 : vector<1x1024x2048xbf16> to vector<1024x2048xbf16>
    %get3A_7 = arith.constant 0 : index
    %get3A_8 = arith.constant 0 : index
    %get3A_9 = arith.constant 0 : index
    %get3A_10 = vector.load %arg4[%get3A_7, %get3A_8, %get3A_9] : memref<1x1024x2048xbf16, #tpu.memory_space<vmem>>, vector<1x1024x2048xbf16>
    %get3A_11 = vector.shape_cast %get3A_10 : vector<1x1024x2048xbf16> to vector<1024x2048xbf16>
    %get3A_12 = arith.constant 0 : index
    %get3A_13 = arith.constant 0 : index
    %get3A_14 = arith.constant 0 : index
    %get3A_15 = vector.load %arg5[%get3A_12, %get3A_13, %get3A_14] : memref<1x2048x1024xbf16, #tpu.memory_space<vmem>>, vector<1x2048x1024xbf16>
    %get3A_16 = vector.shape_cast %get3A_15 : vector<1x2048x1024xbf16> to vector<2048x1024xbf16>
    %dot_general3A = arith.constant dense<0.000000e+00> : vector<128x2048xf32>
    %dot_general3A_17 = tpu.matmul %convert_element_type3A, %get3A_6, %dot_general3A {dimension_numbers = #tpu.dot_dimension_numbers<[1], [0], [0], [1], [0, 0, 1, 1], [], []>, transpose_lhs_hint = false} : vector<128x1024xbf16>, vector<1024x2048xbf16>, vector<128x2048xf32> -> vector<128x2048xf32>
    %dot_general3A_18 = arith.constant dense<0.000000e+00> : vector<128x2048xf32>
    %dot_general3A_19 = tpu.matmul %convert_element_type3A, %get3A_11, %dot_general3A_18 {dimension_numbers = #tpu.dot_dimension_numbers<[1], [0], [0], [1], [0, 0, 1, 1], [], []>, transpose_lhs_hint = false} : vector<128x1024xbf16>, vector<1024x2048xbf16>, vector<128x2048xf32> -> vector<128x2048xf32>
    %logistic3A = arith.negf %dot_general3A_17 : vector<128x2048xf32>
    %logistic3A_20 = math.exp %logistic3A : vector<128x2048xf32>
    %logistic3A_21 = arith.constant 1.000000e+00 : f32
    %logistic3A_22 = vector.broadcast %logistic3A_21 : f32 to vector<128x2048xf32>
    %logistic3A_23 = arith.addf %logistic3A_22, %logistic3A_20 : vector<128x2048xf32>
    %logistic3A_24 = arith.divf %logistic3A_22, %logistic3A_23 : vector<128x2048xf32>
    %mul3A = arith.mulf %dot_general3A_17, %logistic3A_24 : vector<128x2048xf32>
    %mul3A_25 = arith.mulf %mul3A, %dot_general3A_19 : vector<128x2048xf32>
    %convert_element_type3A_26 = arith.truncf %mul3A_25 : vector<128x2048xf32> to vector<128x2048xbf16>
    %dot_general3A_27 = arith.constant dense<0.000000e+00> : vector<128x1024xf32>
    %dot_general3A_28 = tpu.matmul %convert_element_type3A_26, %get3A_16, %dot_general3A_27 {dimension_numbers = #tpu.dot_dimension_numbers<[1], [0], [0], [1], [0, 0, 1, 1], [], []>, transpose_lhs_hint = false} : vector<128x2048xbf16>, vector<2048x1024xbf16>, vector<128x1024xf32> -> vector<128x1024xf32>
    %get3A_29 = arith.constant 0 : index
    %get3A_30 = arith.constant 0 : index
    %get3A_31 = vector.load %arg6[%get3A_29, %get3A_30] : memref<128x1xf32, #tpu.memory_space<vmem>>, vector<128x1xf32>
    %mul3A_32 = vector.broadcast %get3A_31 : vector<128x1xf32> to vector<128x1024xf32>
    %mul3A_33 = arith.mulf %dot_general3A_28, %mul3A_32 : vector<128x1024xf32>
    %swap3A = arith.constant 0 : index
    %swap3A_34 = arith.constant 0 : index
    %swap3A_35 = vector.load %arg7[%swap3A, %swap3A_34] : memref<128x1024xf32, #tpu.memory_space<vmem>>, vector<128x1024xf32>
    tpu.vector_store %arg7[%swap3A, %swap3A_34], %mul3A_33 {strides = array<i32>} : memref<128x1024xf32, #tpu.memory_space<vmem>>, vector<128x1024xf32>,
    return
  }
  func.func @transform_0(%arg0: i32, %arg1: memref<72xi32, #tpu.memory_space<smem>>) -> (i32, i32) {
    %c0_i32 = arith.constant 0 : i32
    %c0_i32_0 = arith.constant 0 : i32
    return %arg0, %c0_i32 : i32, i32
  }
  func.func @transform_1(%arg0: i32, %arg1: memref<72xi32, #tpu.memory_space<smem>>) -> (i32, i32, i32) {
    %get3A = arith.index_cast %arg0 : i32 to index
    %get3A_0 = memref.load %arg1[%get3A] : memref<72xi32, #tpu.memory_space<smem>>
    %c0_i32 = arith.constant 0 : i32
    %c0_i32_1 = arith.constant 0 : i32
    %c0_i32_2 = arith.constant 0 : i32
    return %get3A_0, %c0_i32, %c0_i32_1 : i32, i32, i32
  }
  func.func @transform_2(%arg0: i32, %arg1: memref<72xi32, #tpu.memory_space<smem>>) -> (i32, i32, i32) {
    %get3A = arith.index_cast %arg0 : i32 to index
    %get3A_0 = memref.load %arg1[%get3A] : memref<72xi32, #tpu.memory_space<smem>>
    %c0_i32 = arith.constant 0 : i32
    %c0_i32_1 = arith.constant 0 : i32
    %c0_i32_2 = arith.constant 0 : i32
    return %get3A_0, %c0_i32, %c0_i32_1 : i32, i32, i32
  }
  func.func @transform_3(%arg0: i32, %arg1: memref<72xi32, #tpu.memory_space<smem>>) -> (i32, i32, i32) {
    %get3A = arith.index_cast %arg0 : i32 to index
    %get3A_0 = memref.load %arg1[%get3A] : memref<72xi32, #tpu.memory_space<smem>>
    %c0_i32 = arith.constant 0 : i32
    %c0_i32_1 = arith.constant 0 : i32
    %c0_i32_2 = arith.constant 0 : i32
    return %get3A_0, %c0_i32, %c0_i32_1 : i32, i32, i32
  }
  func.func @transform_4(%arg0: i32, %arg1: memref<72xi32, #tpu.memory_space<smem>>) -> (i32, i32) {
    %c0_i32 = arith.constant 0 : i32
    %c0_i32_0 = arith.constant 0 : i32
    return %arg0, %c0_i32 : i32, i32
  }
  func.func @transform_5(%arg0: i32, %arg1: memref<72xi32, #tpu.memory_space<smem>>) -> (i32, i32) {
    %c0_i32 = arith.constant 0 : i32
    %c0_i32_0 = arith.constant 0 : i32
    return %arg0, %c0_i32 : i32, i32
  }
}

</mosaic_0001>

<sc_bundles>
// kernel: gather_offload_async_start
scs
__scs_entry_jumppad:
0x0: {  	(pc) =	sbr.rel $0x88, $3  }
0x1: {  	(tag) =	ssettag $0x0;
	lr =	simm.s32 $0x1  }
0x2: {  	[smem:$0x3F99] =	sst lr;
	_ =	strace $0xD0000000  }
0x3: {  	_ = 	snop  }
0x4: {  	_ = 	snop  }
0x5: {  	_ = 	snop  }
0x6: {  	_ = 	snop  }
0x7: {  	_ = 	snop  }
__scs_overlays_trampoline_lowered:
0x8: {  	[smem:$0x3FA8] =	sst s0  }
0x9: {  	[smem:$0x3FA9] =	sst s1  }
0xa: {  	[smem:$0x3FAA] =	sst s2  }
0xb: {  	[smem:$0x3FAB] =	sst s3  }
0xc: {  	[smem:$0x3FAC] =	sst s4  }
0xd: {  	[smem:$0x3FAD] =	sst s5  }
0xe: {  	[smem:$0x3FAE] =	sst s6  }
0xf: {  	[smem:$0x3FAF] =	sst s7  }
0x10: {  	[smem:$0x3FB0] =	sst s8  }
0x11: {  	[smem:$0x3FB1] =	sst s9;
	s0 =	simm.s32 @!p0 $0x0  }
0x12: {  	s1 =	sld [smem:$0x3F97];
	s0 =	simm.s32 @p0 $0x1  }
0x13: {  	[smem:$0x3FB2] =	sst s0;
	s0 =	simm.s32 @!p1 $0x0  }
0x14: {  	s2 =	sld [smem:$0x3F96];
	s0 =	simm.s32 @p1 $0x1  }
0x15: {  	[smem:$0x3FB3] =	sst s0;
	s0 =	simm.s32 @!p2 $0x0  }
0x16: {  	s3 =	sld [smem:$0x3FDB];
	s0 =	simm.s32 @p2 $0x1  }
0x17: {  	s4 =	simm.s32 $0x1BF5;
	[smem:$0x3FB5] =	sst s0  }
0x18: {  	s0 =	sld [smem:$0x3F98];
	_ =	swait.ge [sflag:s4], $0x0  }
0x19: {  	s7 =	sld [smem:$0x3F99]  }
0x1a: {  	s8 =	sadd.s32 $0xFFFFE003, lr  }
0x1b: {  	s9 =	sadd.s32 $0xFFFFFEF7, lr;
	s5 =	simm.s32 $0xFFFFFFFF;
	p2 =	slt.u32 s8, $0xFFFFF086  }
0x1c: {  	p1 =	slt.u32 s9, $0xF7A;
	s5 =	simm.s32 @!p2 $0x0  }
0x1d: {  	s5 =	simm.s32 @p1 $0x1;
	p0 =	seq.s32 s7, s2  }
0x1e: {  	s7 =	smul.u32 @!p0 $0xF7A, s2;
	p2 =	seq.s32 @!p0 s5, $0x0  }
0x1f: {  	s9 =	smul.u32 $0xF7A, s1;
	s8 =	simm.s32 @!p0 $0x1BF5;
	p2 =	por !p2, p0  }
0x20: {  	[sflag:s8] =	ssyncset.s32 @!p0 $0xFFFFF086;
	s6 =	sadd.s32 @!p0 s3, s7;
	s7 =	simm.s32 @!p0 $0x108  }
0x21: {  	s3 =	sadd.s32 s3, s9;
	s6 =	sadd.s32 @!p0 $0x88, s6;
	s7 =	simm.s32 @p2 $0x1082  }
0x22: {  	[simem:s7], [sflag:s8] =	dma.local @!p0 [hbm:s6], $0xF7A  }
0x23: {  	s9 =	sor.u32 $0xD0000000, s2;
	s6 =	simm.s32 $0x108;
	_ =	swait.ge @!p0 [sflag:s8], $0x0  }
0x24: {  	s3 =	sadd.s32 $0x88, s3;
	s6 =	simm.s32 @!p1 $0x1082;
	[sflag:s4] =	ssyncset.s32 $0xFFFFF086  }
0x25: {  	[simem:s6], [sflag:s4] =	dma.local [hbm:s3], $0xF7A  }
0x26: {  	[smem:$0x3F99] =	sst s1;
	(tag) =	ssettag s2;
	_ =	strace s9  }
0x27: {  	s1 =	sld [smem:$0x3FA9]  }
0x28: {  	s2 =	sld [smem:$0x3FAA]  }
0x29: {  	s4 =	sld [smem:$0x3FAC]  }
0x2a: {  	p0 =	seq.s32 s5, $0x0;
	s5 =	sld [smem:$0x3FAD]  }
0x2b: {  	s6 =	sld [smem:$0x3FAE]  }
0x2c: {  	s7 =	sld [smem:$0x3FAF]  }
0x2d: {  	s3 =	simm.s32 $0x108;
	s8 =	sld [smem:$0x3FB0]  }
0x2e: {  	s3 =	simm.s32 @!p0 $0x1082;
	s9 =	sld [smem:$0x3FB1]  }
0x2f: {  	lr =	sadd.s32 s0, s3;
	s0 =	sld [smem:$0x3FA8]  }
0x30: {  	s3 =	sld [smem:$0x3FAB]  }
0x31: {  	[smem:$0x3FB4] =	sst s10  }
0x32: {  	s10 =	sld [smem:$0x3FB2];
	_ =	sdelay $0x3  }
0x33: {  	p0 =	seq.s32 s10, $0x1;
	s10 =	sld [smem:$0x3FB4];
	_ =	sdelay $0x3  }
0x34: {  	[smem:$0x3FB4] =	sst s10  }
0x35: {  	s10 =	sld [smem:$0x3FB3];
	_ =	sdelay $0x3  }
0x36: {  	p1 =	seq.s32 s10, $0x1;
	s10 =	sld [smem:$0x3FB4];
	_ =	sdelay $0x3  }
0x37: {  	[smem:$0x3FB4] =	sst s10  }
0x38: {  	s10 =	sld [smem:$0x3FB5]  }
0x39: {  	_ = 	snop;
	(pc) =	sbr.ind lr, $3  }
0x3a: {  	_ = 	snop  }
0x3b: {  	_ = 	snop  }
0x3c: {  	p2 =	seq.s32 s10, $0x1;
	s10 =	sld [smem:$0x3FB4]  }
0x3d: {  	_ =	shalt  }
0x3e: {  	_ =	shalt  }
0x3f: {  	_ =	shalt  }
0x40: {  	_ =	shalt  }
0x41: {  	_ =	shalt  }
0x42: {  	_ =	shalt  }
0x43: {  	_ =	shalt  }
0x44: {  	_ =	shalt  }
0x45: {  	_ =	shalt  }
0x46: {  	_ =	shalt  }
0x47: {  	_ =	shalt  }
0x48: {  	_ =	shalt  }
0x49: {  	_ =	shalt  }
0x4a: {  	_ =	shalt  }
0x4b: {  	_ =	shalt  }
0x4c: {  	_ =	shalt  }
0x4d: {  	_ =	shalt  }
0x4e: {  	_ =	shalt  }
0x4f: {  	_ =	shalt  }
0x50: {  	_ =	shalt  }
0x51: {  	_ =	shalt  }
0x52: {  	_ =	shalt  }
0x53: {  	_ =	shalt  }
0x54: {  	_ =	shalt  }
0x55: {  	_ =	shalt  }
0x56: {  	_ =	shalt  }
0x57: {  	_ =	shalt  }
0x58: {  	_ =	shalt  }
0x59: {  	_ =	shalt  }
0x5a: {  	_ =	shalt  }
0x5b: {  	_ =	shalt  }
0x5c: {  	_ =	shalt  }
0x5d: {  	_ =	shalt  }
0x5e: {  	_ =	shalt  }
0x5f: {  	_ =	shalt  }
0x60: {  	_ =	shalt  }
0x61: {  	_ =	shalt  }
0x62: {  	_ =	shalt  }
0x63: {  	_ =	shalt  }
0x64: {  	_ =	shalt  }
0x65: {  	_ =	shalt  }
0x66: {  	_ =	shalt  }
0x67: {  	_ =	shalt  }
0x68: {  	_ =	shalt  }
0x69: {  	_ =	shalt  }
0x6a: {  	_ =	shalt  }
0x6b: {  	_ =	shalt  }
0x6c: {  	_ =	shalt  }
0x6d: {  	_ =	shalt  }
0x6e: {  	_ =	shalt  }
0x6f: {  	_ =	shalt  }
0x70: {  	_ =	shalt  }
0x71: {  	_ =	shalt  }
0x72: {  	_ =	shalt  }
0x73: {  	_ =	shalt  }
0x74: {  	_ =	shalt  }
0x75: {  	_ =	shalt  }
0x76: {  	_ =	shalt  }
0x77: {  	_ =	shalt  }
0x78: {  	_ =	shalt  }
0x79: {  	_ =	shalt  }
0x7a: {  	_ =	shalt  }
0x7b: {  	_ =	shalt  }
0x7c: {  	_ =	shalt  }
0x7d: {  	_ =	shalt  }
0x7e: {  	_ =	shalt  }
0x7f: {  	_ =	shalt  }
0x80: {  	_ =	shalt  }
0x81: {  	_ =	shalt  }
0x82: {  	_ =	shalt  }
0x83: {  	_ =	shalt  }
0x84: {  	_ =	shalt  }
0x85: {  	_ =	shalt  }
0x86: {  	_ =	shalt  }
0x87: {  	_ =	shalt  }
.Lfunc_end0:
.L_simem_size_0:
called_computation_lowered:
.L_overlay_start_0:
0x88: {  	s2 =	sld [smem:$0x3FD9]  }
0x89: {  	s3 =	sld [smem:$0x3FFE];
	_ =	sdelay $0x1  }
0x8a: {  	s1 =	srdreg.scid  }
0x8b: {  	s0 =	sand.u32 $0x1, s1  }
0x8c: {  	s17 =	sshll.u32 s0, $0xA;
	s2 =	sadd.s32 s3, s2  }
0x8d: {  	s2 =	sadd.s32 s2, s17  }
0x8e: {  	[smem:$0x3FC0] =	sst s2  }
0x8f: {  	_ = 	snop  }
0x90: {  	s2 =	sld [smem:$0x3FD0];
	(tm) =	ssettm $0x1  }
0x91: {  	s18 =	sld [smem:$0x3FFB];
	_ =	sdelay $0x3  }
0x92: {  	_ =	strace s18  }
0x93: {  	s3 =	sld [smem:$0x3FFC];
	_ =	sdelay $0x3  }
0x94: {  	_ =	strace s3  }
0x95: {  	s3 =	sld [smem:$0x3FFD];
	_ =	sdelay $0x3  }
0x96: {  	_ =	strace s3  }
0x97: {  	_ =	strace $0x8FFFFFFF  }
0x98: {  	s19 =	sld [smem:$0x3FDB];
	_ =	sdelay $0x1  }
0x99: {  	s4 =	simm.s32 $_scs_section_size  }
0x9a: {  	s5 =	simm.s32 $_size__tile_overlayer_lowered;
	s6 =	simm.s32 $_tile_overlayer_lowered  }
0x9b: {  	s22 =	simm.s32 $0x1BFF;
	s21 =	sshll.u32 s6, $0x1;
	s3 =	sadd.s32 s4, s19  }
0x9c: {  	s7 =	simm.s32 $0x0;
	s20 =	sshll.u32 s5, $0x1;
	s5 =	sadd.s32 s21, s3  }
0x9d: {  	[timem:s7], [sflag:s22] =	dma.local [hbm:s5], s20  }
0x9e: {  	_ =	swait.ge [sflag:s22], s20  }
0x9f: {  	s4 =	ssub.s32 $0x0, s20;
	[sflag:s22] =	ssyncset.done $0x0  }
0xa0: {  	[sflag:s22] =	ssyncadd.s32 s4;
	_ =	sdelay $0x1  }
0xa1: {  	s23 =	simm.s32 $0x1B8B  }
0xa2: {  	_ =	swait.ge [sflag:s23], $0x1  }
0xa3: {  	[sflag:s23] =	ssyncset.done $0x0  }
0xa4: {  	s25 =	simm.s32 $0x1B8E;
	s24 =	sld [smem:$0x3FFE];
	[sflag:s23] =	ssyncadd.s32 $0xFFFFFFFF  }
0xa5: {  	s26 =	simm.s32 $execute0_lowered;
	[smem:$0x3FD2] =	sst s25  }
0xa6: {  	s5 =	sshll.u32 s26, $0x1;
	_ =	strace $0x80000046;
	[dreg:$0x1] =	wrdreg $0xFFFFFFFF  }
0xa7: {  	s28 =	simm.s32 $_size_execute0_lowered;
	s3 =	sadd.s32 s3, s5;
	[dreg:$0x0] =	wrdreg $0x0  }
0xa8: {  	s5 =	sshll.u32 s28, $0x1;
	[dreg:$0x2] =	wrdreg s3  }
0xa9: {  	[dreg:$0x3] =	wrdreg s5  }
0xaa: {  	[dreg:$0x4] =	wrdreg $0xC0  }
0xab: {  	_ =	task [dreg:s7], $0x5FFFF  }
0xac: {  	[dreg:$0x1] =	wrdreg $0xFFFFFFFF  }
0xad: {  	[dreg:$0x0] =	wrdreg $0x60  }
0xae: {  	[dreg:$0x2] =	wrdreg s2  }
0xaf: {  	[dreg:$0x3] =	wrdreg s24  }
0xb0: {  	[dreg:$0x4] =	wrdreg $0x9  }
0xb1: {  	_ =	task.clear_ibuf [dreg:s7], $0x5FFFF;
	_ =	strace $0x90000046  }
0xb2: {  	s29 =	simm.s32 $0x9;
	_ =	strace $0x80000048  }
0xb3: {  	_ =	swait.ge [sflag:s29], $0x1  }
0xb4: {  	[sflag:s29] =	ssyncadd.s32 $0xFFFFFFFF  }
0xb5: {  	_ =	strace $0x90000048  }
0xb6: {  	_ =	sfence  }
0xb7: {  	s30 =	sld [smem:$0x0];
	_ =	sdelay $0x2  }
0xb8: {  	s31 =	sshll.u32 s1, $0xD;
	s1 =	sshrl.u32 s1, $0x2  }
0xb9: {  	s3 =	sand.u32 $0x4000, s31;
	s1 =	sadd.s32 s1, s30  }
0xba: {  	s0 =	sor.u32 s3, s0;
	s1 =	sshll.u32 s1, $0x11  }
0xbb: {  	s0 =	sor.u32 s1, s0  }
0xbc: {  	s0 =	sadd.s32 $0x8F2B, s0  }
0xbd: {  	[sflag:s0] =	ssyncadd.remote.s32 $0x1  }
0xbe: {  	_ =	sfence.sel $0xFFFF  }
0xbf: {  	[dreg:$0x0] =	wrdreg $0xFFFFFFFF;
	(pc) =	sbr.abs _section_cstart, $3  }
0xc0: {  	[dreg:$0x1] =	wrdreg $0xFFFFFFFF  }
0xc1: {  	_ =	task.clear_ibuf [dreg:s7], $0x2FFFF;
	_ =	strace $0x9FFFFFFF  }
0xc2: {  	(tm) =	ssettm $0x7FFFFFFF  }
0xc3: {  	_ =	shalt  }
tec
execute0_lowered:
.L_overlay_start_1:
0x0: {  	(tag) =	ssettag $0x1  }
0x1: {  	s1 =	srdreg.scid;
	s2 =	rddreg [dreg:$0x0]  }
0x2: {  	s0 =	stileid.u32;
	s5 =	rddreg [dreg:$0x1];
	s6 =	simm.s32 $0x1  }
0x3: {  	s9 =	simm.s32 $0x1;
	s10 =	simm.s32 $0x3;
	s1 =	sshll.u32 s1, $0x7  }
0x4: {  	s13 =	simm.s32 $0x0;
	s3 =	sshll.u32 s0, $0x8;
	s4 =	sand.u32 $0x80, s1  }
0x5: {  	s12 =	simm.s32 $0x0;
	s1 =	rddreg [dreg:$0x2];
	s3 =	sor.u32 s3, s4  }
0x6: {  	_ =	strace $0x80000047;
	s4 =	sadd.s32 $0x1200, s5;
	s8 =	ssub.s32 $0x2000, s3  }
.Ltmp0:
0x7: {  	s5 =	sadd.s32 $0x1600, s5;
	s7 =	sand.u32 $0xF80, s8;
	(pc) =	sbr.rel .LBB2_1-.Ltmp0, $4  }
0x8: {  	[sflag:s6] =	ssyncpa.u1 $0x0;
	s11 =	smov.u32 s3;
	p0 =	sne.s32 s7, $0x0  }
0x9: {  	s8 =	sshrl.u32 s8, $0xC;
	s7 =	simm.s32 $0x2;
	s9 =	simm.s32 @!p0 $0x0  }
0xa: {  	[sflag:s7] =	ssyncpa.u1 $0x0;
	p0 =	por $0x0, $0x0;
	s8 =	sadd.s32 s9, s8  }
0xb: {  	vm0 =	vmmov $0xffff;
	[sflag:s10] =	ssyncpa.u1 $0x0;
	s10 =	simm.s32 $0x0;
	s9 =	sadd.s32 $0x1, s8  }
.LBB2_4:
0xc: {  	v5 =	vshrl.u32 v1, $0xD;
	v6 =	vshll.u32 v1, $0x7  }
0xd: {  	vm1 =	veq.s32 v1, $0x80000000;
	v58 =	vand.u32 $0x7, v5;
	v59 =	vand.u32 $0xFFF80, v6  }
0xe: {  	v1 =	vsel vm1, $0xFFFFFFFF, v58;
	v5 =	vsel vm1, $0xFFFFFF80, v59  }
0xf: {  	v3 =	vor.u32 v4, v3;
	v60 =	vand.u32 $0xFFFFFC00, v5;
	v61 =	vand.u32 $0xFFFFFC00, v1  }
0x10: {  	v2 =	vor.u32 v2, v3;
	v63 =	vand.u32 $0x380, v5;
	v62 =	vadd.s32 v61, v60  }
0x11: {  	v1 =	vand.u32 $0x7F, v1;
	v3 =	vor.u32 v63, v62  }
0x12: {  	v1 =	vor.u32 v1, v3  }
0x13: {  	[tilespmem:s15], [sflag:$0x1] =	stream.indirect_vreg.gather [hbm4b:s2+s10], $0x1, v0, vm0, $0x4038;
	[tilespmem:$0x200] =	vst v63  }
0x14: {  	(ifvalue) =	ssetifvalue $0x7FFFFFFF  }
0x15: {  	[tilespmem:s16], [sflag:$0x1] =	stream.indirect_vreg.gather [hbm4b:s2+s10], $0x1, v2, vm0, $0x4038;
	[tilespmem:$0x200] =	vst v63  }
0x16: {  	s29 =	sadd.s32 $0x10, s16;
	(ifvalue) =	ssetifvalue $0x7FFFFFFF  }
0x17: {  	[tilespmem:s29], [sflag:$0x1] =	stream.indirect_vreg.gather [hbm4b:s2+s10], $0x1, v1, vm0, $0x4038;
	[tilespmem:$0x200] =	vst v63  }
0x18: {  	_ =	swait.ge [sflag:s6], $0x80  }
0x19: {  	s30 =	sshrl.u32 s13, $0x3;
	[sflag:s6] =	ssyncset.done $0x0  }
0x1a: {  	s31 =	sand.u32 $0x7, s13;
	s15 =	sadd.s32 s5, s30;
	[sflag:s6] =	ssyncadd.s32 $0xFFFFFF80  }
0x1b: {  	[hbm4b:s15+s31] =	stream.linear.scatter [tilespmem:s14], [sflag:$0x3], $0x80, $0x38;
	[tilespmem:$0x200] =	vst v63  }
.LBB2_5:
0x1c: {  	s15 =	sadd.s32 $0x1000, s11  }
0x1d: {  	p2 =	sgt.s32 s15, $0x1FFF  }
0x1e: {  	s15 =	smov.u32 @p2 s3;
	p2 =	sne.s32 s12, s9  }
.Ltmp1:
0x1f: {  	p1 =	slt.u32 s12, $0x2;
	(pc) =	sbr.rel @!p2 .LBB2_6-.Ltmp1, $4  }
0x20: {  	s14 =	simm.s32 @!p1 $0x3  }
0x21: {  	s16 =	sadd.s32 $0x1, s12;
	_ =	swait.ge @!p1 [sflag:s14], $0x80  }
0x22: {  	s13 =	smov.u32 s11;
	p0 =	por !p0, !p0;
	[sflag:s14] =	ssyncset.done @!p1 $0x0  }
0x23: {  	s12 =	smov.u32 s16;
	s11 =	smov.u32 s15;
	[sflag:s14] =	ssyncadd.s32 @!p1 $0xFFFFFF80  }
.LBB2_1:
0x24: {  	p1 =	sge.u32 s12, s8  }
0x25: {  	s14 =	sxor.u32 @!p1 $0xFFFFFFFF, s12  }
0x26: {  	s31 =	sadd.s32 $0xFFFFFFFF, s12;
	s15 =	sshrl.u32 @!p1 s11, $0x3;
	s14 =	sshll.u32 @!p1 s14, $0x7  }
0x27: {  	s16 =	sand.u32 @!p1 $0x7, s11;
	s15 =	sadd.s32 @!p1 s4, s15;
	s14 =	sand.u32 @!p1 $0x80, s14  }
0x28: {  	[tilespmem:s14], [sflag:$0x2] =	stream.linear.gather @!p1 [hbm4b:s15+s16], $0x80, $0x38;
	[tilespmem:$0x200] =	vst v63  }
0x29: {  	p1 =	sge.u32 s31, s8  }
.Ltmp2:
0x2a: {  	_ = 	snop;
	(pc) =	sbr.rel @p1 .LBB2_5-.Ltmp2, $1  }
0x2b: {  	_ =	sdelay $0x3  }
0x2c: {  	s14 =	simm.s32 $0x1  }
0x2d: {  	_ =	swait.ge [sflag:s7], $0x80;
	s14 =	simm.s32 @!p0 $0x0  }
0x2e: {  	[sflag:s7] =	ssyncset.done $0x0;
	s14 =	sshll.u32 s14, $0x7  }
0x2f: {  	[sflag:s7] =	ssyncadd.s32 $0xFFFFFF80;
	(ifvalue) =	ssetifvalue $0x7FFFFFFF;
	v0 =	vld.msk [tilespmem:s14+$0x0 ss:$0x1], $0xffff;
	_ =	sdelay $0x4  }
0x30: {  	s15 =	sadd.s32 $0x10, s14;
	v2 =	vshrl.u32 v0, $0xD;
	v3 =	vshll.u32 v0, $0x7  }
0x31: {  	v1 =	vld.msk [tilespmem:s15+$0x0 ss:$0x1], $0xffff;
	vm1 =	veq.s32 v0, $0x80000000;
	v0 =	vand.u32 $0x7, v2;
	v2 =	vand.u32 $0xFFF80, v3  }
0x32: {  	v0 =	vsel vm1, $0xFFFFFFFF, v0;
	v2 =	vsel vm1, $0xFFFFFF80, v2  }
0x33: {  	v3 =	vand.u32 $0xFFFFFC00, v2;
	v4 =	vand.u32 $0xFFFFFC00, v0  }
0x34: {  	v2 =	vand.u32 $0x380, v2;
	v3 =	vadd.s32 v4, v3  }
0x35: {  	v0 =	vand.u32 $0x7F, v0;
	v2 =	vor.u32 v2, v3  }
0x36: {  	v5 =	vshll.u32 v1, $0x7;
	v4 =	vshrl.u32 v1, $0xD;
	v0 =	vor.u32 v0, v2  }
0x37: {  	s16 =	sshll.u32 s12, $0x7;
	vm1 =	veq.s32 v1, $0x80000000;
	v1 =	vand.u32 $0x7, v4;
	v4 =	vand.u32 $0xFFF80, v5  }
0x38: {  	s16 =	sand.u32 $0x80, s16;
	s18 =	sadd.s32 $0x10, s15;
	v3 =	vsel vm1, $0xFFFFFFFF, v1;
	v4 =	vsel vm1, $0xFFFFFF80, v4  }
0x39: {  	s17 =	simm.s32 $0x20;
	s15 =	sor.u32 $0x100, s14;
	s14 =	sor.u32 $0x100, s16;
	v1 =	vld.msk [tilespmem:s18+$0x0 ss:$0x1], $0xffff;
	v5 =	vand.u32 $0xFFFFFC00, v4;
	v6 =	vand.u32 $0xFFFFFC00, v3  }
0x3a: {  	s16 =	sadd.s32 $0x10, s15;
	s18 =	sadd.s32 $0x10, s18;
	(ifvalue) =	ssetifvalue $0x7FFFFFFF;
	v2 =	vand.u32 $0x7F, v3;
	v4 =	vand.u32 $0x380, v4;
	v3 =	vadd.s32 v6, v5  }
.LBB2_3:
0x3b: {  	[tilespmem:s15], [sflag:$0x1] =	stream.indirect_vreg.gather [hbm4b:s2+s10], $0x1, v0, vm0, $0x4038;
	[tilespmem:$0x200] =	vst v63  }
0x3c: {  	s17 =	sadd.s32 $0x10, s17  }
0x3d: {  	v3 =	vor.u32 v4, v3;
	p1 =	slt.u32 s17, $0x70  }
.Ltmp3:
0x3e: {  	v4 =	vshrl.u32 v1, $0xD;
	v5 =	vshll.u32 v1, $0x7;
	s15 =	smov.u32 s16;
	v0 =	vor.u32 v2, v3;
	v2 =	vmovc v1;
	v1 =	vld.msk [tilespmem:s18+$0x0 ss:$0x1], $0xffff;
	(pc) =	sbr.rel @p1 .LBB2_3-.Ltmp3, $4  }
0x3f: {  	v3 =	vand.u32 $0xFFF80, v5;
	vm1 =	veq.s32 v2, $0x80000000;
	v2 =	vand.u32 $0x7, v4  }
0x40: {  	v4 =	vsel vm1, $0xFFFFFFFF, v2;
	v5 =	vsel vm1, $0xFFFFFF80, v3  }
0x41: {  	v2 =	vand.u32 $0x7F, v4;
	v3 =	vand.u32 $0xFFFFFC00, v5;
	v4 =	vand.u32 $0xFFFFFC00, v4  }
0x42: {  	s16 =	sadd.s32 $0x10, s16;
	s18 =	sadd.s32 $0x10, s18;
	v3 =	vadd.s32 v4, v3;
	v4 =	vand.u32 $0x380, v5;
	(ifvalue) =	ssetifvalue $0x7FFFFFFF  }
.Ltmp4:
0x43: {  	_ = 	snop;
	(pc) =	sbr.rel .LBB2_4-.Ltmp4, $1  }
0x44: {  	_ =	sdelay $0x3  }
.LBB2_6:
0x45: {  	_ =	sfence.sel $0x180000  }
0x46: {  	s2 =	simm.s32 $0x2;
	[bflag:$0x0] =	sbarrier.arrive $0xFFFF  }
0x47: {  	s30 =	simm.s32 $0x3;
	[sflag:s2] =	ssyncpa.u1 $0x1  }
0x48: {  	s31 =	simm.s32 $0x1;
	[sflag:s30] =	ssyncpa.u1 $0x1  }
0x49: {  	[sflag:s31] =	ssyncpa.u1 $0x1  }
0x4a: {  	p0 =	sne.s32 s0, $0x0;
	_ =	strace $0x90000047  }
0x4b: {  	s0 =	sadd.s32 @!p0 $0x100000, s1;
	[bflag:$0x2] =	sbarrier.arrive $0xFFFF  }
0x4c: {  	[sflag:s0] =	ssyncadd.tile.s32 @!p0 $0x1;
	_ =	shalt  }
.Lfunc_end2:
_tile_overlayer_lowered:
.L_overlay_start_2:
0x4d: {  	(tag) =	ssettag $0x2  }
0x4e: {  	s0 =	rddreg [dreg:$0x0];
	s2 =	stileid.u32  }
0x4f: {  	s1 =	rddreg [dreg:$0x1];
	p0 =	sne.s32 s2, $0x0  }
0x50: {  	s3 =	rddreg [dreg:$0x2];
	[bflag:$0x3] =	sbarrier.arrive $0xFFFF;
	s2 =	simm.s32 @!p0 $0x1C01  }
0x51: {  	[timem:s3], [sflag:s2] =	dma.local @!p0 [hbm:s0], s1  }
0x52: {  	s0 =	simm.s32 @!p0 $0x1  }
0x53: {  	_ =	swait.ge @!p0 [sflag:s0], s1  }
0x54: {  	s1 =	ssub.s32 @!p0 $0x0, s1;
	[sflag:s0] =	ssyncset.done @!p0 $0x0  }
0x55: {  	[sflag:s0] =	ssyncadd.s32 @!p0 s1  }
0x56: {  	[bflag:$0x3] =	sbarrier.arrive $0xFFFF  }
0x57: {  	_ =	shalt  }

// kernel: kernel.6.cloned.1.call-start
scs
__scs_entry_jumppad:
0x0: {  	(pc) =	sbr.rel $0x88, $3  }
0x1: {  	(tag) =	ssettag $0x0;
	lr =	simm.s32 $0x1  }
0x2: {  	[smem:$0x3F99] =	sst lr;
	_ =	strace $0xD0000000  }
0x3: {  	_ = 	snop  }
0x4: {  	_ = 	snop  }
0x5: {  	_ = 	snop  }
0x6: {  	_ = 	snop  }
0x7: {  	_ = 	snop  }
__scs_overlays_trampoline_lowered:
0x8: {  	[smem:$0x3FA8] =	sst s0  }
0x9: {  	[smem:$0x3FA9] =	sst s1  }
0xa: {  	[smem:$0x3FAA] =	sst s2  }
0xb: {  	[smem:$0x3FAB] =	sst s3  }
0xc: {  	[smem:$0x3FAC] =	sst s4  }
0xd: {  	[smem:$0x3FAD] =	sst s5  }
0xe: {  	[smem:$0x3FAE] =	sst s6  }
0xf: {  	[smem:$0x3FAF] =	sst s7  }
0x10: {  	[smem:$0x3FB0] =	sst s8  }
0x11: {  	[smem:$0x3FB1] =	sst s9;
	s0 =	simm.s32 @!p0 $0x0  }
0x12: {  	s1 =	sld [smem:$0x3F97];
	s0 =	simm.s32 @p0 $0x1  }
0x13: {  	[smem:$0x3FB2] =	sst s0;
	s0 =	simm.s32 @!p1 $0x0  }
0x14: {  	s2 =	sld [smem:$0x3F96];
	s0 =	simm.s32 @p1 $0x1  }
0x15: {  	[smem:$0x3FB3] =	sst s0;
	s0 =	simm.s32 @!p2 $0x0  }
0x16: {  	s3 =	sld [smem:$0x3FDB];
	s0 =	simm.s32 @p2 $0x1  }
0x17: {  	s4 =	simm.s32 $0x1BF5;
	[smem:$0x3FB5] =	sst s0  }
0x18: {  	s0 =	sld [smem:$0x3F98];
	_ =	swait.ge [sflag:s4], $0x0  }
0x19: {  	s7 =	sld [smem:$0x3F99]  }
0x1a: {  	s8 =	sadd.s32 $0xFFFFE003, lr  }
0x1b: {  	s9 =	sadd.s32 $0xFFFFFEF7, lr;
	s5 =	simm.s32 $0xFFFFFFFF;
	p2 =	slt.u32 s8, $0xFFFFF086  }
0x1c: {  	p1 =	slt.u32 s9, $0xF7A;
	s5 =	simm.s32 @!p2 $0x0  }
0x1d: {  	s5 =	simm.s32 @p1 $0x1;
	p0 =	seq.s32 s7, s2  }
0x1e: {  	s7 =	smul.u32 @!p0 $0xF7A, s2;
	p2 =	seq.s32 @!p0 s5, $0x0  }
0x1f: {  	s9 =	smul.u32 $0xF7A, s1;
	s8 =	simm.s32 @!p0 $0x1BF5;
	p2 =	por !p2, p0  }
0x20: {  	[sflag:s8] =	ssyncset.s32 @!p0 $0xFFFFF086;
	s6 =	sadd.s32 @!p0 s3, s7;
	s7 =	simm.s32 @!p0 $0x108  }
0x21: {  	s3 =	sadd.s32 s3, s9;
	s6 =	sadd.s32 @!p0 $0x88, s6;
	s7 =	simm.s32 @p2 $0x1082  }
0x22: {  	[simem:s7], [sflag:s8] =	dma.local @!p0 [hbm:s6], $0xF7A  }
0x23: {  	s9 =	sor.u32 $0xD0000000, s2;
	s6 =	simm.s32 $0x108;
	_ =	swait.ge @!p0 [sflag:s8], $0x0  }
0x24: {  	s3 =	sadd.s32 $0x88, s3;
	s6 =	simm.s32 @!p1 $0x1082;
	[sflag:s4] =	ssyncset.s32 $0xFFFFF086  }
0x25: {  	[simem:s6], [sflag:s4] =	dma.local [hbm:s3], $0xF7A  }
0x26: {  	[smem:$0x3F99] =	sst s1;
	(tag) =	ssettag s2;
	_ =	strace s9  }
0x27: {  	s1 =	sld [smem:$0x3FA9]  }
0x28: {  	s2 =	sld [smem:$0x3FAA]  }
0x29: {  	s4 =	sld [smem:$0x3FAC]  }
0x2a: {  	p0 =	seq.s32 s5, $0x0;
	s5 =	sld [smem:$0x3FAD]  }
0x2b: {  	s6 =	sld [smem:$0x3FAE]  }
0x2c: {  	s7 =	sld [smem:$0x3FAF]  }
0x2d: {  	s3 =	simm.s32 $0x108;
	s8 =	sld [smem:$0x3FB0]  }
0x2e: {  	s3 =	simm.s32 @!p0 $0x1082;
	s9 =	sld [smem:$0x3FB1]  }
0x2f: {  	lr =	sadd.s32 s0, s3;
	s0 =	sld [smem:$0x3FA8]  }
0x30: {  	s3 =	sld [smem:$0x3FAB]  }
0x31: {  	[smem:$0x3FB4] =	sst s10  }
0x32: {  	s10 =	sld [smem:$0x3FB2];
	_ =	sdelay $0x3  }
0x33: {  	p0 =	seq.s32 s10, $0x1;
	s10 =	sld [smem:$0x3FB4];
	_ =	sdelay $0x3  }
0x34: {  	[smem:$0x3FB4] =	sst s10  }
0x35: {  	s10 =	sld [smem:$0x3FB3];
	_ =	sdelay $0x3  }
0x36: {  	p1 =	seq.s32 s10, $0x1;
	s10 =	sld [smem:$0x3FB4];
	_ =	sdelay $0x3  }
0x37: {  	[smem:$0x3FB4] =	sst s10  }
0x38: {  	s10 =	sld [smem:$0x3FB5]  }
0x39: {  	_ = 	snop;
	(pc) =	sbr.ind lr, $3  }
0x3a: {  	_ = 	snop  }
0x3b: {  	_ = 	snop  }
0x3c: {  	p2 =	seq.s32 s10, $0x1;
	s10 =	sld [smem:$0x3FB4]  }
0x3d: {  	_ =	shalt  }
0x3e: {  	_ =	shalt  }
0x3f: {  	_ =	shalt  }
0x40: {  	_ =	shalt  }
0x41: {  	_ =	shalt  }
0x42: {  	_ =	shalt  }
0x43: {  	_ =	shalt  }
0x44: {  	_ =	shalt  }
0x45: {  	_ =	shalt  }
0x46: {  	_ =	shalt  }
0x47: {  	_ =	shalt  }
0x48: {  	_ =	shalt  }
0x49: {  	_ =	shalt  }
0x4a: {  	_ =	shalt  }
0x4b: {  	_ =	shalt  }
0x4c: {  	_ =	shalt  }
0x4d: {  	_ =	shalt  }
0x4e: {  	_ =	shalt  }
0x4f: {  	_ =	shalt  }
0x50: {  	_ =	shalt  }
0x51: {  	_ =	shalt  }
0x52: {  	_ =	shalt  }
0x53: {  	_ =	shalt  }
0x54: {  	_ =	shalt  }
0x55: {  	_ =	shalt  }
0x56: {  	_ =	shalt  }
0x57: {  	_ =	shalt  }
0x58: {  	_ =	shalt  }
0x59: {  	_ =	shalt  }
0x5a: {  	_ =	shalt  }
0x5b: {  	_ =	shalt  }
0x5c: {  	_ =	shalt  }
0x5d: {  	_ =	shalt  }
0x5e: {  	_ =	shalt  }
0x5f: {  	_ =	shalt  }
0x60: {  	_ =	shalt  }
0x61: {  	_ =	shalt  }
0x62: {  	_ =	shalt  }
0x63: {  	_ =	shalt  }
0x64: {  	_ =	shalt  }
0x65: {  	_ =	shalt  }
0x66: {  	_ =	shalt  }
0x67: {  	_ =	shalt  }
0x68: {  	_ =	shalt  }
0x69: {  	_ =	shalt  }
0x6a: {  	_ =	shalt  }
0x6b: {  	_ =	shalt  }
0x6c: {  	_ =	shalt  }
0x6d: {  	_ =	shalt  }
0x6e: {  	_ =	shalt  }
0x6f: {  	_ =	shalt  }
0x70: {  	_ =	shalt  }
0x71: {  	_ =	shalt  }
0x72: {  	_ =	shalt  }
0x73: {  	_ =	shalt  }
0x74: {  	_ =	shalt  }
0x75: {  	_ =	shalt  }
0x76: {  	_ =	shalt  }
0x77: {  	_ =	shalt  }
0x78: {  	_ =	shalt  }
0x79: {  	_ =	shalt  }
0x7a: {  	_ =	shalt  }
0x7b: {  	_ =	shalt  }
0x7c: {  	_ =	shalt  }
0x7d: {  	_ =	shalt  }
0x7e: {  	_ =	shalt  }
0x7f: {  	_ =	shalt  }
0x80: {  	_ =	shalt  }
0x81: {  	_ =	shalt  }
0x82: {  	_ =	shalt  }
0x83: {  	_ =	shalt  }
0x84: {  	_ =	shalt  }
0x85: {  	_ =	shalt  }
0x86: {  	_ =	shalt  }
0x87: {  	_ =	shalt  }
.Lfunc_end0:
.L_simem_size_0:
called_computation.1_lowered:
.L_overlay_start_0:
0x88: {  	s2 =	sld [smem:$0x3FD9]  }
0x89: {  	s3 =	sld [smem:$0x3FFE];
	_ =	sdelay $0x1  }
0x8a: {  	s1 =	srdreg.scid  }
0x8b: {  	s0 =	sand.u32 $0x1, s1  }
0x8c: {  	s17 =	sshll.u32 s0, $0xA;
	s2 =	sadd.s32 s3, s2  }
0x8d: {  	s2 =	sadd.s32 s2, s17  }
0x8e: {  	[smem:$0x3FC0] =	sst s2  }
0x8f: {  	_ = 	snop  }
0x90: {  	s2 =	sld [smem:$0x3FC9];
	(tm) =	ssettm $0x1  }
0x91: {  	s18 =	sld [smem:$0x3FFB];
	_ =	sdelay $0x3  }
0x92: {  	_ =	strace s18  }
0x93: {  	s3 =	sld [smem:$0x3FFC];
	_ =	sdelay $0x3  }
0x94: {  	_ =	strace s3  }
0x95: {  	s3 =	sld [smem:$0x3FFD];
	_ =	sdelay $0x3  }
0x96: {  	_ =	strace s3  }
0x97: {  	_ =	strace $0x8FFFFFFF  }
0x98: {  	s19 =	sld [smem:$0x3FDB];
	_ =	sdelay $0x1  }
0x99: {  	s4 =	simm.s32 $_scs_section_size  }
0x9a: {  	s5 =	simm.s32 $_size__tile_overlayer_lowered;
	s6 =	simm.s32 $_tile_overlayer_lowered  }
0x9b: {  	s22 =	simm.s32 $0x1BFF;
	s21 =	sshll.u32 s6, $0x1;
	s3 =	sadd.s32 s4, s19  }
0x9c: {  	s7 =	simm.s32 $0x0;
	s20 =	sshll.u32 s5, $0x1;
	s5 =	sadd.s32 s21, s3  }
0x9d: {  	[timem:s7], [sflag:s22] =	dma.local [hbm:s5], s20  }
0x9e: {  	_ =	swait.ge [sflag:s22], s20  }
0x9f: {  	s4 =	ssub.s32 $0x0, s20;
	[sflag:s22] =	ssyncset.done $0x0  }
0xa0: {  	[sflag:s22] =	ssyncadd.s32 s4;
	_ =	sdelay $0x1  }
0xa1: {  	s23 =	simm.s32 $0x1B8B  }
0xa2: {  	_ =	swait.ge [sflag:s23], $0x1  }
0xa3: {  	[sflag:s23] =	ssyncset.done $0x0  }
0xa4: {  	s25 =	simm.s32 $0x1B8E;
	s24 =	sld [smem:$0x3FFE];
	[sflag:s23] =	ssyncadd.s32 $0xFFFFFFFF  }
0xa5: {  	s26 =	simm.s32 $execute0_lowered;
	[smem:$0x3FD2] =	sst s25  }
0xa6: {  	s5 =	sshll.u32 s26, $0x1;
	_ =	strace $0x80000049;
	[dreg:$0x1] =	wrdreg $0xFFFFFFFF  }
0xa7: {  	s28 =	simm.s32 $_size_execute0_lowered;
	s3 =	sadd.s32 s3, s5;
	[dreg:$0x0] =	wrdreg $0x0  }
0xa8: {  	s5 =	sshll.u32 s28, $0x1;
	[dreg:$0x2] =	wrdreg s3  }
0xa9: {  	[dreg:$0x3] =	wrdreg s5  }
0xaa: {  	[dreg:$0x4] =	wrdreg $0xC0  }
0xab: {  	_ =	task [dreg:s7], $0x5FFFF  }
0xac: {  	[dreg:$0x1] =	wrdreg $0xFFFFFFFF  }
0xad: {  	[dreg:$0x0] =	wrdreg $0x60  }
0xae: {  	[dreg:$0x2] =	wrdreg s2  }
0xaf: {  	[dreg:$0x3] =	wrdreg s24  }
0xb0: {  	[dreg:$0x4] =	wrdreg $0x9  }
0xb1: {  	_ =	task.clear_ibuf [dreg:s7], $0x5FFFF;
	_ =	strace $0x90000049  }
0xb2: {  	s29 =	simm.s32 $0x9;
	_ =	strace $0x8000004B  }
0xb3: {  	_ =	swait.ge [sflag:s29], $0x1  }
0xb4: {  	[sflag:s29] =	ssyncadd.s32 $0xFFFFFFFF  }
0xb5: {  	_ =	strace $0x9000004B  }
0xb6: {  	_ =	sfence  }
0xb7: {  	s30 =	sld [smem:$0x0];
	_ =	sdelay $0x2  }
0xb8: {  	s31 =	sshll.u32 s1, $0xD;
	s1 =	sshrl.u32 s1, $0x2  }
0xb9: {  	s3 =	sand.u32 $0x4000, s31;
	s1 =	sadd.s32 s1, s30  }
0xba: {  	s0 =	sor.u32 s3, s0;
	s1 =	sshll.u32 s1, $0x11  }
0xbb: {  	s0 =	sor.u32 s1, s0  }
0xbc: {  	s0 =	sadd.s32 $0x8F2B, s0  }
0xbd: {  	[sflag:s0] =	ssyncadd.remote.s32 $0x1  }
0xbe: {  	_ =	sfence.sel $0xFFFF  }
0xbf: {  	[dreg:$0x0] =	wrdreg $0xFFFFFFFF;
	(pc) =	sbr.abs _section_cstart, $3  }
0xc0: {  	[dreg:$0x1] =	wrdreg $0xFFFFFFFF  }
0xc1: {  	_ =	task.clear_ibuf [dreg:s7], $0x2FFFF;
	_ =	strace $0x9FFFFFFF  }
0xc2: {  	(tm) =	ssettm $0x7FFFFFFF  }
0xc3: {  	_ =	shalt  }
tec
execute0_lowered:
.L_overlay_start_1:
0x0: {  	(tag) =	ssettag $0x1  }
0x1: {  	s2 =	rddreg [dreg:$0x0];
	s0 =	srdreg.scid  }
0x2: {  	s3 =	stileid.u32;
	s1 =	rddreg [dreg:$0x1];
	s11 =	simm.s32 $0x1  }
0x3: {  	s13 =	simm.s32 $0x880;
	s14 =	simm.s32 $0x1080;
	s15 =	simm.s32 $0x1880  }
0x4: {  	s16 =	simm.s32 $0x2080;
	s17 =	simm.s32 $0x2880;
	s18 =	simm.s32 $0x3080  }
0x5: {  	s19 =	simm.s32 $0x3880;
	s20 =	simm.s32 $0x4080;
	s21 =	simm.s32 $0x4880  }
0x6: {  	s22 =	simm.s32 $0x5080;
	s28 =	simm.s32 $0x7880;
	s29 =	simm.s32 $0x8080  }
0x7: {  	s30 =	simm.s32 $0x8880;
	s31 =	simm.s32 $0x9080;
	s10 =	simm.s32 $0xA880  }
0x8: {  	s0 =	sand.u32 $0x1, s0;
	s4 =	sshll.u32 s3, $0x1;
	s3 =	simm.s32 $0x0  }
0x9: {  	s6 =	sadd.s32 $0x200, s1;
	s1 =	sadd.s32 $0x1600, s1;
	s4 =	sor.u32 s0, s4  }
0xa: {  	[smem:$0x7FF] =	sst s3;
	s0 =	ssub.s32 $0x2, s0;
	s5 =	smul.u32 $0x120, s4  }
0xb: {  	_ =	strace $0x8000004A;
	s4 =	smul.u32 $0x9000, s4;
	s8 =	sshrl.u32 s0, $0x1  }
0xc: {  	s0 =	ssub.s32 s0, s8;
	s8 =	simm.s32 $0x2;
	s7 =	sshrl.u32 s5, $0x3  }
0xd: {  	s4 =	sadd.s32 s1, s4;
	s23 =	sadd.s32 $0x60, s5;
	s5 =	sadd.s32 $0xC0, s5  }
0xe: {  	s7 =	sadd.s32 s6, s7;
	[dreg:$0x4] =	wrdreg s4;
	s24 =	sshrl.u32 s23, $0x3  }
0xf: {  	s26 =	sshrl.u32 s5, $0x3;
	s5 =	sshll.u32 s5, $0x7;
	[dreg:$0x3] =	wrdreg s7  }
0x10: {  	s4 =	sadd.s32 s6, s24;
	s7 =	sshll.u32 s23, $0x7;
	s6 =	sadd.s32 s6, s26  }
0x11: {  	s23 =	simm.s32 $0x5880;
	s24 =	simm.s32 $0x6080;
	s26 =	simm.s32 $0x7080  }
0x12: {  	[dreg:$0x5] =	wrdreg s4;
	s25 =	sadd.s32 s1, s7;
	s4 =	sadd.s32 $0x100, s2  }
0x13: {  	v2 =	vlaneseq.u32;
	[dreg:$0x7] =	wrdreg s6;
	s1 =	sadd.s32 s1, s5;
	s5 =	sadd.s32 $0x200, s2  }
0x14: {  	vm0 =	vmmov $0xffff;
	v1 =	vshrl.u32 v2, $0x3;
	s6 =	sadd.s32 $0x300, s2;
	s7 =	smax.u32 s0, $0x1;
	[dreg:$0x6] =	wrdreg s25  }
0x15: {  	v0 =	vand.u32 $0x7, v2;
	v2 =	vor.u32 $0x8, v2;
	v1 =	vmul.u32 $0x8, v1;
	s0 =	simm.s32 $0x80;
	[dreg:$0x8] =	wrdreg s1;
	s25 =	simm.s32 $0x6880  }
.LBB2_1:
0x16: {  	s12 =	rddreg [dreg:$0x3]  }
0x17: {  	[tilespmem:s3], [sflag:$0x2] =	stream.linear.gather [hbm4b:s12+s3], $0x60, $0x38;
	[tilespmem:$0x18080] =	vst v63  }
0x18: {  	_ =	swait.ge [sflag:s8], $0x60  }
0x19: {  	[sflag:s8] =	ssyncset.done $0x0  }
0x1a: {  	[sflag:s8] =	ssyncadd.s32 $0xFFFFFFA0  }
0x1b: {  	v3 =	vld [tilespmem:$0x0];
	_ =	sdelay $0x4  }
0x1c: {  	v4 =	vshll.u32 v3, $0x3  }
0x1d: {  	v3 =	vand.u32 $0x7, v3;
	v4 =	vand.u32 $0xFFFFFFC0, v4  }
0x1e: {  	v3 =	vor.u32 v3, v4  }
0x1f: {  	v4 =	vperm.xlane v3, v0;
	_ =	sdelay $0x1  }
0x20: {  	v4 =	vadd.s32 v1, v4;
	_ =	sdelay $0x4  }
0x21: {  	[tilespmem:s0], [sflag:$0x1] =	stream.indirect_vreg.gather [hbm4b:s2+s3], $0x80, v4, vm0, $0xb8;
	[tilespmem:$0x18080] =	vst v63  }
0x22: {  	v3 =	vperm.xlane v3, v2  }
0x23: {  	[tilespmem:s13], [sflag:$0x1] =	stream.indirect_vreg.gather [hbm4b:s4+s3], $0x80, v4, vm0, $0xb8;
	[tilespmem:$0x18080] =	vst v63  }
0x24: {  	v3 =	vadd.s32 v1, v3  }
0x25: {  	[tilespmem:s14], [sflag:$0x1] =	stream.indirect_vreg.gather [hbm4b:s5+s3], $0x80, v4, vm0, $0xb8;
	[tilespmem:$0x18080] =	vst v63  }
0x26: {  	_ = 	snop  }
0x27: {  	[tilespmem:s15], [sflag:$0x1] =	stream.indirect_vreg.gather [hbm4b:s6+s3], $0x80, v4, vm0, $0xb8;
	[tilespmem:$0x18080] =	vst v63  }
0x28: {  	_ = 	snop  }
0x29: {  	[tilespmem:s16], [sflag:$0x1] =	stream.indirect_vreg.gather [hbm4b:s2+s3], $0x80, v3, vm0, $0xb8;
	[tilespmem:$0x18080] =	vst v63  }
0x2a: {  	_ = 	snop  }
0x2b: {  	[tilespmem:s17], [sflag:$0x1] =	stream.indirect_vreg.gather [hbm4b:s4+s3], $0x80, v3, vm0, $0xb8;
	[tilespmem:$0x18080] =	vst v63  }
0x2c: {  	_ = 	snop  }
0x2d: {  	[tilespmem:s18], [sflag:$0x1] =	stream.indirect_vreg.gather [hbm4b:s5+s3], $0x80, v3, vm0, $0xb8;
	[tilespmem:$0x18080] =	vst v63  }
0x2e: {  	_ = 	snop  }
0x2f: {  	[tilespmem:s19], [sflag:$0x1] =	stream.indirect_vreg.gather [hbm4b:s6+s3], $0x80, v3, vm0, $0xb8;
	[tilespmem:$0x18080] =	vst v63  }
0x30: {  	v3 =	vld [tilespmem:$0x10];
	_ =	sdelay $0x4  }
0x31: {  	v47 =	vshll.u32 v3, $0x3  }
0x32: {  	v3 =	vand.u32 $0x7, v3;
	v4 =	vand.u32 $0xFFFFFFC0, v47  }
0x33: {  	v3 =	vor.u32 v3, v4  }
0x34: {  	v4 =	vperm.xlane v3, v0;
	_ =	sdelay $0x1  }
0x35: {  	v4 =	vadd.s32 v1, v4;
	_ =	sdelay $0x4  }
0x36: {  	[tilespmem:s20], [sflag:$0x1] =	stream.indirect_vreg.gather [hbm4b:s2+s3], $0x80, v4, vm0, $0xb8;
	[tilespmem:$0x18080] =	vst v63  }
0x37: {  	v3 =	vperm.xlane v3, v2  }
0x38: {  	[tilespmem:s21], [sflag:$0x1] =	stream.indirect_vreg.gather [hbm4b:s4+s3], $0x80, v4, vm0, $0xb8;
	[tilespmem:$0x18080] =	vst v63  }
0x39: {  	v3 =	vadd.s32 v1, v3  }
0x3a: {  	[tilespmem:s22], [sflag:$0x1] =	stream.indirect_vreg.gather [hbm4b:s5+s3], $0x80, v4, vm0, $0xb8;
	[tilespmem:$0x18080] =	vst v63  }
0x3b: {  	_ = 	snop  }
0x3c: {  	[tilespmem:s23], [sflag:$0x1] =	stream.indirect_vreg.gather [hbm4b:s6+s3], $0x80, v4, vm0, $0xb8;
	[tilespmem:$0x18080] =	vst v63  }
0x3d: {  	_ = 	snop  }
0x3e: {  	[tilespmem:s24], [sflag:$0x1] =	stream.indirect_vreg.gather [hbm4b:s2+s3], $0x80, v3, vm0, $0xb8;
	[tilespmem:$0x18080] =	vst v63  }
0x3f: {  	_ = 	snop  }
0x40: {  	[tilespmem:s25], [sflag:$0x1] =	stream.indirect_vreg.gather [hbm4b:s4+s3], $0x80, v3, vm0, $0xb8;
	[tilespmem:$0x18080] =	vst v63  }
0x41: {  	_ = 	snop  }
0x42: {  	[tilespmem:s26], [sflag:$0x1] =	stream.indirect_vreg.gather [hbm4b:s5+s3], $0x80, v3, vm0, $0xb8;
	[tilespmem:$0x18080] =	vst v63  }
0x43: {  	_ = 	snop  }
0x44: {  	[tilespmem:s28], [sflag:$0x1] =	stream.indirect_vreg.gather [hbm4b:s6+s3], $0x80, v3, vm0, $0xb8;
	[tilespmem:$0x18080] =	vst v63  }
0x45: {  	v3 =	vld [tilespmem:$0x20];
	_ =	sdelay $0x4  }
0x46: {  	v48 =	vshll.u32 v3, $0x3  }
0x47: {  	v3 =	vand.u32 $0x7, v3;
	v4 =	vand.u32 $0xFFFFFFC0, v48  }
0x48: {  	v3 =	vor.u32 v3, v4  }
0x49: {  	v4 =	vperm.xlane v3, v0;
	_ =	sdelay $0x1  }
0x4a: {  	v4 =	vadd.s32 v1, v4;
	_ =	sdelay $0x4  }
0x4b: {  	[tilespmem:s29], [sflag:$0x1] =	stream.indirect_vreg.gather [hbm4b:s2+s3], $0x80, v4, vm0, $0xb8;
	[tilespmem:$0x18080] =	vst v63  }
0x4c: {  	v3 =	vperm.xlane v3, v2  }
0x4d: {  	[tilespmem:s30], [sflag:$0x1] =	stream.indirect_vreg.gather [hbm4b:s4+s3], $0x80, v4, vm0, $0xb8;
	[tilespmem:$0x18080] =	vst v63  }
0x4e: {  	v3 =	vadd.s32 v1, v3  }
0x4f: {  	[tilespmem:s31], [sflag:$0x1] =	stream.indirect_vreg.gather [hbm4b:s5+s3], $0x80, v4, vm0, $0xb8;
	[tilespmem:$0x18080] =	vst v63  }
0x50: {  	s1 =	simm.s32 $0x9880  }
0x51: {  	[tilespmem:s1], [sflag:$0x1] =	stream.indirect_vreg.gather [hbm4b:s6+s3], $0x80, v4, vm0, $0xb8;
	[tilespmem:$0x18080] =	vst v63  }
0x52: {  	s9 =	simm.s32 $0xA080  }
0x53: {  	[tilespmem:s9], [sflag:$0x1] =	stream.indirect_vreg.gather [hbm4b:s2+s3], $0x80, v3, vm0, $0xb8;
	[tilespmem:$0x18080] =	vst v63  }
0x54: {  	_ = 	snop  }
0x55: {  	[tilespmem:s10], [sflag:$0x1] =	stream.indirect_vreg.gather [hbm4b:s4+s3], $0x80, v3, vm0, $0xb8;
	[tilespmem:$0x18080] =	vst v63  }
0x56: {  	s9 =	simm.s32 $0xB080  }
0x57: {  	[tilespmem:s9], [sflag:$0x1] =	stream.indirect_vreg.gather [hbm4b:s5+s3], $0x80, v3, vm0, $0xb8;
	[tilespmem:$0x18080] =	vst v63  }
0x58: {  	s12 =	simm.s32 $0xB880  }
0x59: {  	[tilespmem:s12], [sflag:$0x1] =	stream.indirect_vreg.gather [hbm4b:s6+s3], $0x80, v3, vm0, $0xb8;
	[tilespmem:$0x18080] =	vst v63  }
0x5a: {  	v3 =	vld [tilespmem:$0x30];
	_ =	sdelay $0x4  }
0x5b: {  	v49 =	vshll.u32 v3, $0x3  }
0x5c: {  	v3 =	vand.u32 $0x7, v3;
	v4 =	vand.u32 $0xFFFFFFC0, v49  }
0x5d: {  	v3 =	vor.u32 v3, v4  }
0x5e: {  	v4 =	vperm.xlane v3, v0;
	_ =	sdelay $0x1  }
0x5f: {  	v4 =	vadd.s32 v1, v4;
	_ =	sdelay $0x3  }
0x60: {  	s12 =	simm.s32 $0xC080  }
0x61: {  	[tilespmem:s12], [sflag:$0x1] =	stream.indirect_vreg.gather [hbm4b:s2+s3], $0x80, v4, vm0, $0xb8;
	[tilespmem:$0x18080] =	vst v63  }
0x62: {  	v3 =	vperm.xlane v3, v2;
	s12 =	simm.s32 $0xC880  }
0x63: {  	[tilespmem:s12], [sflag:$0x1] =	stream.indirect_vreg.gather [hbm4b:s4+s3], $0x80, v4, vm0, $0xb8;
	[tilespmem:$0x18080] =	vst v63  }
0x64: {  	v3 =	vadd.s32 v1, v3;
	s12 =	simm.s32 $0xD080  }
0x65: {  	[tilespmem:s12], [sflag:$0x1] =	stream.indirect_vreg.gather [hbm4b:s5+s3], $0x80, v4, vm0, $0xb8;
	[tilespmem:$0x18080] =	vst v63  }
0x66: {  	s12 =	simm.s32 $0xD880  }
0x67: {  	[tilespmem:s12], [sflag:$0x1] =	stream.indirect_vreg.gather [hbm4b:s6+s3], $0x80, v4, vm0, $0xb8;
	[tilespmem:$0x18080] =	vst v63  }
0x68: {  	s12 =	simm.s32 $0xE080  }
0x69: {  	[tilespmem:s12], [sflag:$0x1] =	stream.indirect_vreg.gather [hbm4b:s2+s3], $0x80, v3, vm0, $0xb8;
	[tilespmem:$0x18080] =	vst v63  }
0x6a: {  	s12 =	simm.s32 $0xE880  }
0x6b: {  	[tilespmem:s12], [sflag:$0x1] =	stream.indirect_vreg.gather [hbm4b:s4+s3], $0x80, v3, vm0, $0xb8;
	[tilespmem:$0x18080] =	vst v63  }
0x6c: {  	s12 =	simm.s32 $0xF080  }
0x6d: {  	[tilespmem:s12], [sflag:$0x1] =	stream.indirect_vreg.gather [hbm4b:s5+s3], $0x80, v3, vm0, $0xb8;
	[tilespmem:$0x18080] =	vst v63  }
0x6e: {  	s12 =	simm.s32 $0xF880  }
0x6f: {  	[tilespmem:s12], [sflag:$0x1] =	stream.indirect_vreg.gather [hbm4b:s6+s3], $0x80, v3, vm0, $0xb8;
	[tilespmem:$0x18080] =	vst v63  }
0x70: {  	v3 =	vld [tilespmem:$0x40];
	_ =	sdelay $0x4  }
0x71: {  	v50 =	vshll.u32 v3, $0x3  }
0x72: {  	v3 =	vand.u32 $0x7, v3;
	v4 =	vand.u32 $0xFFFFFFC0, v50  }
0x73: {  	v3 =	vor.u32 v3, v4  }
0x74: {  	v4 =	vperm.xlane v3, v0;
	_ =	sdelay $0x1  }
0x75: {  	v4 =	vadd.s32 v1, v4;
	_ =	sdelay $0x3  }
0x76: {  	s12 =	simm.s32 $0x10080  }
0x77: {  	[tilespmem:s12], [sflag:$0x1] =	stream.indirect_vreg.gather [hbm4b:s2+s3], $0x80, v4, vm0, $0xb8;
	[tilespmem:$0x18080] =	vst v63  }
0x78: {  	v3 =	vperm.xlane v3, v2;
	s12 =	simm.s32 $0x10880  }
0x79: {  	[tilespmem:s12], [sflag:$0x1] =	stream.indirect_vreg.gather [hbm4b:s4+s3], $0x80, v4, vm0, $0xb8;
	[tilespmem:$0x18080] =	vst v63  }
0x7a: {  	v3 =	vadd.s32 v1, v3;
	s12 =	simm.s32 $0x11080  }
0x7b: {  	[tilespmem:s12], [sflag:$0x1] =	stream.indirect_vreg.gather [hbm4b:s5+s3], $0x80, v4, vm0, $0xb8;
	[tilespmem:$0x18080] =	vst v63  }
0x7c: {  	s12 =	simm.s32 $0x11880  }
0x7d: {  	[tilespmem:s12], [sflag:$0x1] =	stream.indirect_vreg.gather [hbm4b:s6+s3], $0x80, v4, vm0, $0xb8;
	[tilespmem:$0x18080] =	vst v63  }
0x7e: {  	s12 =	simm.s32 $0x12080  }
0x7f: {  	[tilespmem:s12], [sflag:$0x1] =	stream.indirect_vreg.gather [hbm4b:s2+s3], $0x80, v3, vm0, $0xb8;
	[tilespmem:$0x18080] =	vst v63  }
0x80: {  	s12 =	simm.s32 $0x12880  }
0x81: {  	[tilespmem:s12], [sflag:$0x1] =	stream.indirect_vreg.gather [hbm4b:s4+s3], $0x80, v3, vm0, $0xb8;
	[tilespmem:$0x18080] =	vst v63  }
0x82: {  	s12 =	simm.s32 $0x13080  }
0x83: {  	[tilespmem:s12], [sflag:$0x1] =	stream.indirect_vreg.gather [hbm4b:s5+s3], $0x80, v3, vm0, $0xb8;
	[tilespmem:$0x18080] =	vst v63  }
0x84: {  	s12 =	simm.s32 $0x13880  }
0x85: {  	[tilespmem:s12], [sflag:$0x1] =	stream.indirect_vreg.gather [hbm4b:s6+s3], $0x80, v3, vm0, $0xb8;
	[tilespmem:$0x18080] =	vst v63  }
0x86: {  	v3 =	vld [tilespmem:$0x50];
	_ =	sdelay $0x4  }
0x87: {  	v51 =	vshll.u32 v3, $0x3  }
0x88: {  	v3 =	vand.u32 $0x7, v3;
	v4 =	vand.u32 $0xFFFFFFC0, v51  }
0x89: {  	v3 =	vor.u32 v3, v4  }
0x8a: {  	v4 =	vperm.xlane v3, v0;
	_ =	sdelay $0x1  }
0x8b: {  	v4 =	vadd.s32 v1, v4;
	_ =	sdelay $0x3  }
0x8c: {  	s12 =	simm.s32 $0x14080  }
0x8d: {  	[tilespmem:s12], [sflag:$0x1] =	stream.indirect_vreg.gather [hbm4b:s2+s3], $0x80, v4, vm0, $0xb8;
	[tilespmem:$0x18080] =	vst v63  }
0x8e: {  	v3 =	vperm.xlane v3, v2;
	s12 =	simm.s32 $0x14880  }
0x8f: {  	[tilespmem:s12], [sflag:$0x1] =	stream.indirect_vreg.gather [hbm4b:s4+s3], $0x80, v4, vm0, $0xb8;
	[tilespmem:$0x18080] =	vst v63  }
0x90: {  	v3 =	vadd.s32 v1, v3;
	s12 =	simm.s32 $0x15080  }
0x91: {  	[tilespmem:s12], [sflag:$0x1] =	stream.indirect_vreg.gather [hbm4b:s5+s3], $0x80, v4, vm0, $0xb8;
	[tilespmem:$0x18080] =	vst v63  }
0x92: {  	s12 =	simm.s32 $0x15880  }
0x93: {  	[tilespmem:s12], [sflag:$0x1] =	stream.indirect_vreg.gather [hbm4b:s6+s3], $0x80, v4, vm0, $0xb8;
	[tilespmem:$0x18080] =	vst v63  }
0x94: {  	s12 =	simm.s32 $0x16080  }
0x95: {  	[tilespmem:s12], [sflag:$0x1] =	stream.indirect_vreg.gather [hbm4b:s2+s3], $0x80, v3, vm0, $0xb8;
	[tilespmem:$0x18080] =	vst v63  }
0x96: {  	s12 =	simm.s32 $0x16880  }
0x97: {  	[tilespmem:s12], [sflag:$0x1] =	stream.indirect_vreg.gather [hbm4b:s4+s3], $0x80, v3, vm0, $0xb8;
	[tilespmem:$0x18080] =	vst v63  }
0x98: {  	s12 =	simm.s32 $0x17080  }
0x99: {  	[tilespmem:s12], [sflag:$0x1] =	stream.indirect_vreg.gather [hbm4b:s5+s3], $0x80, v3, vm0, $0xb8;
	[tilespmem:$0x18080] =	vst v63  }
0x9a: {  	s12 =	simm.s32 $0x17880  }
0x9b: {  	[tilespmem:s12], [sflag:$0x1] =	stream.indirect_vreg.gather [hbm4b:s6+s3], $0x80, v3, vm0, $0xb8;
	[tilespmem:$0x18080] =	vst v63  }
0x9c: {  	_ =	swait.ge [sflag:s11], $0x18000  }
0x9d: {  	[sflag:s11] =	ssyncset.done $0x0  }
0x9e: {  	s12 =	rddreg [dreg:$0x4];
	[sflag:s11] =	ssyncadd.s32 $0xFFFE8000  }
0x9f: {  	[hbm4b:s12+s3] =	stream.linear.scatter [tilespmem:s0], [sflag:$0x2], $0x18000, $0x38;
	[tilespmem:$0x18080] =	vst v63  }
0xa0: {  	_ =	swait.ge [sflag:s8], $0x18000  }
0xa1: {  	[sflag:s8] =	ssyncset.done $0x0  }
0xa2: {  	s12 =	rddreg [dreg:$0x5];
	[sflag:s8] =	ssyncadd.s32 $0xFFFE8000  }
0xa3: {  	[tilespmem:s3], [sflag:$0x2] =	stream.linear.gather [hbm4b:s12+s3], $0x60, $0x38;
	[tilespmem:$0x18080] =	vst v63  }
0xa4: {  	_ =	swait.ge [sflag:s8], $0x60  }
0xa5: {  	[sflag:s8] =	ssyncset.done $0x0  }
0xa6: {  	[sflag:s8] =	ssyncadd.s32 $0xFFFFFFA0  }
0xa7: {  	v3 =	vld [tilespmem:$0x0];
	_ =	sdelay $0x4  }
0xa8: {  	v52 =	vshll.u32 v3, $0x3  }
0xa9: {  	v3 =	vand.u32 $0x7, v3;
	v4 =	vand.u32 $0xFFFFFFC0, v52  }
0xaa: {  	v3 =	vor.u32 v3, v4  }
0xab: {  	v4 =	vperm.xlane v3, v0;
	_ =	sdelay $0x1  }
0xac: {  	v4 =	vadd.s32 v1, v4;
	_ =	sdelay $0x4  }
0xad: {  	[tilespmem:s0], [sflag:$0x1] =	stream.indirect_vreg.gather [hbm4b:s2+s3], $0x80, v4, vm0, $0xb8;
	[tilespmem:$0x18080] =	vst v63  }
0xae: {  	v3 =	vperm.xlane v3, v2  }
0xaf: {  	[tilespmem:s13], [sflag:$0x1] =	stream.indirect_vreg.gather [hbm4b:s4+s3], $0x80, v4, vm0, $0xb8;
	[tilespmem:$0x18080] =	vst v63  }
0xb0: {  	v3 =	vadd.s32 v1, v3  }
0xb1: {  	[tilespmem:s14], [sflag:$0x1] =	stream.indirect_vreg.gather [hbm4b:s5+s3], $0x80, v4, vm0, $0xb8;
	[tilespmem:$0x18080] =	vst v63  }
0xb2: {  	_ = 	snop  }
0xb3: {  	[tilespmem:s15], [sflag:$0x1] =	stream.indirect_vreg.gather [hbm4b:s6+s3], $0x80, v4, vm0, $0xb8;
	[tilespmem:$0x18080] =	vst v63  }
0xb4: {  	_ = 	snop  }
0xb5: {  	[tilespmem:s16], [sflag:$0x1] =	stream.indirect_vreg.gather [hbm4b:s2+s3], $0x80, v3, vm0, $0xb8;
	[tilespmem:$0x18080] =	vst v63  }
0xb6: {  	_ = 	snop  }
0xb7: {  	[tilespmem:s17], [sflag:$0x1] =	stream.indirect_vreg.gather [hbm4b:s4+s3], $0x80, v3, vm0, $0xb8;
	[tilespmem:$0x18080] =	vst v63  }
0xb8: {  	_ = 	snop  }
0xb9: {  	[tilespmem:s18], [sflag:$0x1] =	stream.indirect_vreg.gather [hbm4b:s5+s3], $0x80, v3, vm0, $0xb8;
	[tilespmem:$0x18080] =	vst v63  }
0xba: {  	_ = 	snop  }
0xbb: {  	[tilespmem:s19], [sflag:$0x1] =	stream.indirect_vreg.gather [hbm4b:s6+s3], $0x80, v3, vm0, $0xb8;
	[tilespmem:$0x18080] =	vst v63  }
0xbc: {  	v3 =	vld [tilespmem:$0x10];
	_ =	sdelay $0x4  }
0xbd: {  	v53 =	vshll.u32 v3, $0x3  }
0xbe: {  	v3 =	vand.u32 $0x7, v3;
	v4 =	vand.u32 $0xFFFFFFC0, v53  }
0xbf: {  	v3 =	vor.u32 v3, v4  }
0xc0: {  	v4 =	vperm.xlane v3, v0;
	_ =	sdelay $0x1  }
0xc1: {  	v4 =	vadd.s32 v1, v4;
	_ =	sdelay $0x4  }
0xc2: {  	[tilespmem:s20], [sflag:$0x1] =	stream.indirect_vreg.gather [hbm4b:s2+s3], $0x80, v4, vm0, $0xb8;
	[tilespmem:$0x18080] =	vst v63  }
0xc3: {  	v3 =	vperm.xlane v3, v2  }
0xc4: {  	[tilespmem:s21], [sflag:$0x1] =	stream.indirect_vreg.gather [hbm4b:s4+s3], $0x80, v4, vm0, $0xb8;
	[tilespmem:$0x18080] =	vst v63  }
0xc5: {  	v3 =	vadd.s32 v1, v3  }
0xc6: {  	[tilespmem:s22], [sflag:$0x1] =	stream.indirect_vreg.gather [hbm4b:s5+s3], $0x80, v4, vm0, $0xb8;
	[tilespmem:$0x18080] =	vst v63  }
0xc7: {  	_ = 	snop  }
0xc8: {  	[tilespmem:s23], [sflag:$0x1] =	stream.indirect_vreg.gather [hbm4b:s6+s3], $0x80, v4, vm0, $0xb8;
	[tilespmem:$0x18080] =	vst v63  }
0xc9: {  	_ = 	snop  }
0xca: {  	[tilespmem:s24], [sflag:$0x1] =	stream.indirect_vreg.gather [hbm4b:s2+s3], $0x80, v3, vm0, $0xb8;
	[tilespmem:$0x18080] =	vst v63  }
0xcb: {  	_ = 	snop  }
0xcc: {  	[tilespmem:s25], [sflag:$0x1] =	stream.indirect_vreg.gather [hbm4b:s4+s3], $0x80, v3, vm0, $0xb8;
	[tilespmem:$0x18080] =	vst v63  }
0xcd: {  	_ = 	snop  }
0xce: {  	[tilespmem:s26], [sflag:$0x1] =	stream.indirect_vreg.gather [hbm4b:s5+s3], $0x80, v3, vm0, $0xb8;
	[tilespmem:$0x18080] =	vst v63  }
0xcf: {  	_ = 	snop  }
0xd0: {  	[tilespmem:s28], [sflag:$0x1] =	stream.indirect_vreg.gather [hbm4b:s6+s3], $0x80, v3, vm0, $0xb8;
	[tilespmem:$0x18080] =	vst v63  }
0xd1: {  	v3 =	vld [tilespmem:$0x20];
	_ =	sdelay $0x4  }
0xd2: {  	v54 =	vshll.u32 v3, $0x3  }
0xd3: {  	v3 =	vand.u32 $0x7, v3;
	v4 =	vand.u32 $0xFFFFFFC0, v54  }
0xd4: {  	v3 =	vor.u32 v3, v4  }
0xd5: {  	v4 =	vperm.xlane v3, v0;
	_ =	sdelay $0x1  }
0xd6: {  	v4 =	vadd.s32 v1, v4;
	_ =	sdelay $0x4  }
0xd7: {  	[tilespmem:s29], [sflag:$0x1] =	stream.indirect_vreg.gather [hbm4b:s2+s3], $0x80, v4, vm0, $0xb8;
	[tilespmem:$0x18080] =	vst v63  }
0xd8: {  	v3 =	vperm.xlane v3, v2  }
0xd9: {  	[tilespmem:s30], [sflag:$0x1] =	stream.indirect_vreg.gather [hbm4b:s4+s3], $0x80, v4, vm0, $0xb8;
	[tilespmem:$0x18080] =	vst v63  }
0xda: {  	v3 =	vadd.s32 v1, v3  }
0xdb: {  	[tilespmem:s31], [sflag:$0x1] =	stream.indirect_vreg.gather [hbm4b:s5+s3], $0x80, v4, vm0, $0xb8;
	[tilespmem:$0x18080] =	vst v63  }
0xdc: {  	_ = 	snop  }
0xdd: {  	[tilespmem:s1], [sflag:$0x1] =	stream.indirect_vreg.gather [hbm4b:s6+s3], $0x80, v4, vm0, $0xb8;
	[tilespmem:$0x18080] =	vst v63  }
0xde: {  	s12 =	simm.s32 $0xA080  }
0xdf: {  	[tilespmem:s12], [sflag:$0x1] =	stream.indirect_vreg.gather [hbm4b:s2+s3], $0x80, v3, vm0, $0xb8;
	[tilespmem:$0x18080] =	vst v63  }
0xe0: {  	_ = 	snop  }
0xe1: {  	[tilespmem:s10], [sflag:$0x1] =	stream.indirect_vreg.gather [hbm4b:s4+s3], $0x80, v3, vm0, $0xb8;
	[tilespmem:$0x18080] =	vst v63  }
0xe2: {  	_ = 	snop  }
0xe3: {  	[tilespmem:s9], [sflag:$0x1] =	stream.indirect_vreg.gather [hbm4b:s5+s3], $0x80, v3, vm0, $0xb8;
	[tilespmem:$0x18080] =	vst v63  }
0xe4: {  	s12 =	simm.s32 $0xB880  }
0xe5: {  	[tilespmem:s12], [sflag:$0x1] =	stream.indirect_vreg.gather [hbm4b:s6+s3], $0x80, v3, vm0, $0xb8;
	[tilespmem:$0x18080] =	vst v63  }
0xe6: {  	v3 =	vld [tilespmem:$0x30];
	_ =	sdelay $0x4  }
0xe7: {  	v55 =	vshll.u32 v3, $0x3  }
0xe8: {  	v3 =	vand.u32 $0x7, v3;
	v4 =	vand.u32 $0xFFFFFFC0, v55  }
0xe9: {  	v3 =	vor.u32 v3, v4  }
0xea: {  	v4 =	vperm.xlane v3, v0;
	_ =	sdelay $0x1  }
0xeb: {  	v4 =	vadd.s32 v1, v4;
	_ =	sdelay $0x3  }
0xec: {  	s12 =	simm.s32 $0xC080  }
0xed: {  	[tilespmem:s12], [sflag:$0x1] =	stream.indirect_vreg.gather [hbm4b:s2+s3], $0x80, v4, vm0, $0xb8;
	[tilespmem:$0x18080] =	vst v63  }
0xee: {  	v3 =	vperm.xlane v3, v2;
	s12 =	simm.s32 $0xC880  }
0xef: {  	[tilespmem:s12], [sflag:$0x1] =	stream.indirect_vreg.gather [hbm4b:s4+s3], $0x80, v4, vm0, $0xb8;
	[tilespmem:$0x18080] =	vst v63  }
0xf0: {  	v3 =	vadd.s32 v1, v3;
	s12 =	simm.s32 $0xD080  }
0xf1: {  	[tilespmem:s12], [sflag:$0x1] =	stream.indirect_vreg.gather [hbm4b:s5+s3], $0x80, v4, vm0, $0xb8;
	[tilespmem:$0x18080] =	vst v63  }
0xf2: {  	s12 =	simm.s32 $0xD880  }
0xf3: {  	[tilespmem:s12], [sflag:$0x1] =	stream.indirect_vreg.gather [hbm4b:s6+s3], $0x80, v4, vm0, $0xb8;
	[tilespmem:$0x18080] =	vst v63  }
0xf4: {  	s12 =	simm.s32 $0xE080  }
0xf5: {  	[tilespmem:s12], [sflag:$0x1] =	stream.indirect_vreg.gather [hbm4b:s2+s3], $0x80, v3, vm0, $0xb8;
	[tilespmem:$0x18080] =	vst v63  }
0xf6: {  	s12 =	simm.s32 $0xE880  }
0xf7: {  	[tilespmem:s12], [sflag:$0x1] =	stream.indirect_vreg.gather [hbm4b:s4+s3], $0x80, v3, vm0, $0xb8;
	[tilespmem:$0x18080] =	vst v63  }
0xf8: {  	s12 =	simm.s32 $0xF080  }
0xf9: {  	[tilespmem:s12], [sflag:$0x1] =	stream.indirect_vreg.gather [hbm4b:s5+s3], $0x80, v3, vm0, $0xb8;
	[tilespmem:$0x18080] =	vst v63  }
0xfa: {  	s12 =	simm.s32 $0xF880  }
0xfb: {  	[tilespmem:s12], [sflag:$0x1] =	stream.indirect_vreg.gather [hbm4b:s6+s3], $0x80, v3, vm0, $0xb8;
	[tilespmem:$0x18080] =	vst v63  }
0xfc: {  	v3 =	vld [tilespmem:$0x40];
	_ =	sdelay $0x4  }
0xfd: {  	v56 =	vshll.u32 v3, $0x3  }
0xfe: {  	v3 =	vand.u32 $0x7, v3;
	v4 =	vand.u32 $0xFFFFFFC0, v56  }
0xff: {  	v3 =	vor.u32 v3, v4  }
0x100: {  	v4 =	vperm.xlane v3, v0;
	_ =	sdelay $0x1  }
0x101: {  	v4 =	vadd.s32 v1, v4;
	_ =	sdelay $0x3  }
0x102: {  	s12 =	simm.s32 $0x10080  }
0x103: {  	[tilespmem:s12], [sflag:$0x1] =	stream.indirect_vreg.gather [hbm4b:s2+s3], $0x80, v4, vm0, $0xb8;
	[tilespmem:$0x18080] =	vst v63  }
0x104: {  	v3 =	vperm.xlane v3, v2;
	s12 =	simm.s32 $0x10880  }
0x105: {  	[tilespmem:s12], [sflag:$0x1] =	stream.indirect_vreg.gather [hbm4b:s4+s3], $0x80, v4, vm0, $0xb8;
	[tilespmem:$0x18080] =	vst v63  }
0x106: {  	v3 =	vadd.s32 v1, v3;
	s12 =	simm.s32 $0x11080  }
0x107: {  	[tilespmem:s12], [sflag:$0x1] =	stream.indirect_vreg.gather [hbm4b:s5+s3], $0x80, v4, vm0, $0xb8;
	[tilespmem:$0x18080] =	vst v63  }
0x108: {  	s12 =	simm.s32 $0x11880  }
0x109: {  	[tilespmem:s12], [sflag:$0x1] =	stream.indirect_vreg.gather [hbm4b:s6+s3], $0x80, v4, vm0, $0xb8;
	[tilespmem:$0x18080] =	vst v63  }
0x10a: {  	s12 =	simm.s32 $0x12080  }
0x10b: {  	[tilespmem:s12], [sflag:$0x1] =	stream.indirect_vreg.gather [hbm4b:s2+s3], $0x80, v3, vm0, $0xb8;
	[tilespmem:$0x18080] =	vst v63  }
0x10c: {  	s12 =	simm.s32 $0x12880  }
0x10d: {  	[tilespmem:s12], [sflag:$0x1] =	stream.indirect_vreg.gather [hbm4b:s4+s3], $0x80, v3, vm0, $0xb8;
	[tilespmem:$0x18080] =	vst v63  }
0x10e: {  	s12 =	simm.s32 $0x13080  }
0x10f: {  	[tilespmem:s12], [sflag:$0x1] =	stream.indirect_vreg.gather [hbm4b:s5+s3], $0x80, v3, vm0, $0xb8;
	[tilespmem:$0x18080] =	vst v63  }
0x110: {  	s12 =	simm.s32 $0x13880  }
0x111: {  	[tilespmem:s12], [sflag:$0x1] =	stream.indirect_vreg.gather [hbm4b:s6+s3], $0x80, v3, vm0, $0xb8;
	[tilespmem:$0x18080] =	vst v63  }
0x112: {  	v3 =	vld [tilespmem:$0x50];
	_ =	sdelay $0x4  }
0x113: {  	v57 =	vshll.u32 v3, $0x3  }
0x114: {  	v3 =	vand.u32 $0x7, v3;
	v4 =	vand.u32 $0xFFFFFFC0, v57  }
0x115: {  	v3 =	vor.u32 v3, v4  }
0x116: {  	v4 =	vperm.xlane v3, v0;
	_ =	sdelay $0x1  }
0x117: {  	v4 =	vadd.s32 v1, v4;
	_ =	sdelay $0x3  }
0x118: {  	s12 =	simm.s32 $0x14080  }
0x119: {  	[tilespmem:s12], [sflag:$0x1] =	stream.indirect_vreg.gather [hbm4b:s2+s3], $0x80, v4, vm0, $0xb8;
	[tilespmem:$0x18080] =	vst v63  }
0x11a: {  	v3 =	vperm.xlane v3, v2;
	s12 =	simm.s32 $0x14880  }
0x11b: {  	[tilespmem:s12], [sflag:$0x1] =	stream.indirect_vreg.gather [hbm4b:s4+s3], $0x80, v4, vm0, $0xb8;
	[tilespmem:$0x18080] =	vst v63  }
0x11c: {  	v3 =	vadd.s32 v1, v3;
	s12 =	simm.s32 $0x15080  }
0x11d: {  	[tilespmem:s12], [sflag:$0x1] =	stream.indirect_vreg.gather [hbm4b:s5+s3], $0x80, v4, vm0, $0xb8;
	[tilespmem:$0x18080] =	vst v63  }
0x11e: {  	s12 =	simm.s32 $0x15880  }
0x11f: {  	[tilespmem:s12], [sflag:$0x1] =	stream.indirect_vreg.gather [hbm4b:s6+s3], $0x80, v4, vm0, $0xb8;
	[tilespmem:$0x18080] =	vst v63  }
0x120: {  	s12 =	simm.s32 $0x16080  }
0x121: {  	[tilespmem:s12], [sflag:$0x1] =	stream.indirect_vreg.gather [hbm4b:s2+s3], $0x80, v3, vm0, $0xb8;
	[tilespmem:$0x18080] =	vst v63  }
0x122: {  	s12 =	simm.s32 $0x16880  }
0x123: {  	[tilespmem:s12], [sflag:$0x1] =	stream.indirect_vreg.gather [hbm4b:s4+s3], $0x80, v3, vm0, $0xb8;
	[tilespmem:$0x18080] =	vst v63  }
0x124: {  	s12 =	simm.s32 $0x17080  }
0x125: {  	[tilespmem:s12], [sflag:$0x1] =	stream.indirect_vreg.gather [hbm4b:s5+s3], $0x80, v3, vm0, $0xb8;
	[tilespmem:$0x18080] =	vst v63  }
0x126: {  	s12 =	simm.s32 $0x17880  }
0x127: {  	[tilespmem:s12], [sflag:$0x1] =	stream.indirect_vreg.gather [hbm4b:s6+s3], $0x80, v3, vm0, $0xb8;
	[tilespmem:$0x18080] =	vst v63  }
0x128: {  	_ =	swait.ge [sflag:s11], $0x18000  }
0x129: {  	[sflag:s11] =	ssyncset.done $0x0  }
0x12a: {  	s12 =	rddreg [dreg:$0x6];
	[sflag:s11] =	ssyncadd.s32 $0xFFFE8000  }
0x12b: {  	[hbm4b:s12+s3] =	stream.linear.scatter [tilespmem:s0], [sflag:$0x2], $0x18000, $0x38;
	[tilespmem:$0x18080] =	vst v63  }
0x12c: {  	_ =	swait.ge [sflag:s8], $0x18000  }
0x12d: {  	[sflag:s8] =	ssyncset.done $0x0  }
0x12e: {  	s12 =	rddreg [dreg:$0x7];
	[sflag:s8] =	ssyncadd.s32 $0xFFFE8000  }
0x12f: {  	[tilespmem:s3], [sflag:$0x2] =	stream.linear.gather [hbm4b:s12+s3], $0x60, $0x38;
	[tilespmem:$0x18080] =	vst v63  }
0x130: {  	_ =	swait.ge [sflag:s8], $0x60  }
0x131: {  	[sflag:s8] =	ssyncset.done $0x0  }
0x132: {  	[sflag:s8] =	ssyncadd.s32 $0xFFFFFFA0  }
0x133: {  	v3 =	vld [tilespmem:$0x0];
	_ =	sdelay $0x4  }
0x134: {  	v58 =	vshll.u32 v3, $0x3  }
0x135: {  	v3 =	vand.u32 $0x7, v3;
	v4 =	vand.u32 $0xFFFFFFC0, v58  }
0x136: {  	v3 =	vor.u32 v3, v4  }
0x137: {  	v4 =	vperm.xlane v3, v0;
	_ =	sdelay $0x1  }
0x138: {  	v4 =	vadd.s32 v1, v4;
	_ =	sdelay $0x4  }
0x139: {  	[tilespmem:s0], [sflag:$0x1] =	stream.indirect_vreg.gather [hbm4b:s2+s3], $0x80, v4, vm0, $0xb8;
	[tilespmem:$0x18080] =	vst v63  }
0x13a: {  	v3 =	vperm.xlane v3, v2  }
0x13b: {  	[tilespmem:s13], [sflag:$0x1] =	stream.indirect_vreg.gather [hbm4b:s4+s3], $0x80, v4, vm0, $0xb8;
	[tilespmem:$0x18080] =	vst v63  }
0x13c: {  	v3 =	vadd.s32 v1, v3  }
0x13d: {  	[tilespmem:s14], [sflag:$0x1] =	stream.indirect_vreg.gather [hbm4b:s5+s3], $0x80, v4, vm0, $0xb8;
	[tilespmem:$0x18080] =	vst v63  }
0x13e: {  	_ = 	snop  }
0x13f: {  	[tilespmem:s15], [sflag:$0x1] =	stream.indirect_vreg.gather [hbm4b:s6+s3], $0x80, v4, vm0, $0xb8;
	[tilespmem:$0x18080] =	vst v63  }
0x140: {  	_ = 	snop  }
0x141: {  	[tilespmem:s16], [sflag:$0x1] =	stream.indirect_vreg.gather [hbm4b:s2+s3], $0x80, v3, vm0, $0xb8;
	[tilespmem:$0x18080] =	vst v63  }
0x142: {  	_ = 	snop  }
0x143: {  	[tilespmem:s17], [sflag:$0x1] =	stream.indirect_vreg.gather [hbm4b:s4+s3], $0x80, v3, vm0, $0xb8;
	[tilespmem:$0x18080] =	vst v63  }
0x144: {  	_ = 	snop  }
0x145: {  	[tilespmem:s18], [sflag:$0x1] =	stream.indirect_vreg.gather [hbm4b:s5+s3], $0x80, v3, vm0, $0xb8;
	[tilespmem:$0x18080] =	vst v63  }
0x146: {  	_ = 	snop  }
0x147: {  	[tilespmem:s19], [sflag:$0x1] =	stream.indirect_vreg.gather [hbm4b:s6+s3], $0x80, v3, vm0, $0xb8;
	[tilespmem:$0x18080] =	vst v63  }
0x148: {  	v3 =	vld [tilespmem:$0x10];
	_ =	sdelay $0x4  }
0x149: {  	v59 =	vshll.u32 v3, $0x3  }
0x14a: {  	v3 =	vand.u32 $0x7, v3;
	v4 =	vand.u32 $0xFFFFFFC0, v59  }
0x14b: {  	v3 =	vor.u32 v3, v4  }
0x14c: {  	v4 =	vperm.xlane v3, v0;
	_ =	sdelay $0x1  }
0x14d: {  	v4 =	vadd.s32 v1, v4;
	_ =	sdelay $0x4  }
0x14e: {  	[tilespmem:s20], [sflag:$0x1] =	stream.indirect_vreg.gather [hbm4b:s2+s3], $0x80, v4, vm0, $0xb8;
	[tilespmem:$0x18080] =	vst v63  }
0x14f: {  	v3 =	vperm.xlane v3, v2  }
0x150: {  	[tilespmem:s21], [sflag:$0x1] =	stream.indirect_vreg.gather [hbm4b:s4+s3], $0x80, v4, vm0, $0xb8;
	[tilespmem:$0x18080] =	vst v63  }
0x151: {  	v3 =	vadd.s32 v1, v3  }
0x152: {  	[tilespmem:s22], [sflag:$0x1] =	stream.indirect_vreg.gather [hbm4b:s5+s3], $0x80, v4, vm0, $0xb8;
	[tilespmem:$0x18080] =	vst v63  }
0x153: {  	_ = 	snop  }
0x154: {  	[tilespmem:s23], [sflag:$0x1] =	stream.indirect_vreg.gather [hbm4b:s6+s3], $0x80, v4, vm0, $0xb8;
	[tilespmem:$0x18080] =	vst v63  }
0x155: {  	_ = 	snop  }
0x156: {  	[tilespmem:s24], [sflag:$0x1] =	stream.indirect_vreg.gather [hbm4b:s2+s3], $0x80, v3, vm0, $0xb8;
	[tilespmem:$0x18080] =	vst v63  }
0x157: {  	_ = 	snop  }
0x158: {  	[tilespmem:s25], [sflag:$0x1] =	stream.indirect_vreg.gather [hbm4b:s4+s3], $0x80, v3, vm0, $0xb8;
	[tilespmem:$0x18080] =	vst v63  }
0x159: {  	_ = 	snop  }
0x15a: {  	[tilespmem:s26], [sflag:$0x1] =	stream.indirect_vreg.gather [hbm4b:s5+s3], $0x80, v3, vm0, $0xb8;
	[tilespmem:$0x18080] =	vst v63  }
0x15b: {  	_ = 	snop  }
0x15c: {  	[tilespmem:s28], [sflag:$0x1] =	stream.indirect_vreg.gather [hbm4b:s6+s3], $0x80, v3, vm0, $0xb8;
	[tilespmem:$0x18080] =	vst v63  }
0x15d: {  	v3 =	vld [tilespmem:$0x20];
	_ =	sdelay $0x4  }
0x15e: {  	v60 =	vshll.u32 v3, $0x3  }
0x15f: {  	v3 =	vand.u32 $0x7, v3;
	v4 =	vand.u32 $0xFFFFFFC0, v60  }
0x160: {  	v3 =	vor.u32 v3, v4  }
0x161: {  	v4 =	vperm.xlane v3, v0;
	_ =	sdelay $0x1  }
0x162: {  	v4 =	vadd.s32 v1, v4;
	_ =	sdelay $0x4  }
0x163: {  	[tilespmem:s29], [sflag:$0x1] =	stream.indirect_vreg.gather [hbm4b:s2+s3], $0x80, v4, vm0, $0xb8;
	[tilespmem:$0x18080] =	vst v63  }
0x164: {  	v3 =	vperm.xlane v3, v2  }
0x165: {  	[tilespmem:s30], [sflag:$0x1] =	stream.indirect_vreg.gather [hbm4b:s4+s3], $0x80, v4, vm0, $0xb8;
	[tilespmem:$0x18080] =	vst v63  }
0x166: {  	v3 =	vadd.s32 v1, v3  }
0x167: {  	[tilespmem:s31], [sflag:$0x1] =	stream.indirect_vreg.gather [hbm4b:s5+s3], $0x80, v4, vm0, $0xb8;
	[tilespmem:$0x18080] =	vst v63  }
0x168: {  	_ = 	snop  }
0x169: {  	[tilespmem:s1], [sflag:$0x1] =	stream.indirect_vreg.gather [hbm4b:s6+s3], $0x80, v4, vm0, $0xb8;
	[tilespmem:$0x18080] =	vst v63  }
0x16a: {  	s12 =	simm.s32 $0xA080  }
0x16b: {  	[tilespmem:s12], [sflag:$0x1] =	stream.indirect_vreg.gather [hbm4b:s2+s3], $0x80, v3, vm0, $0xb8;
	[tilespmem:$0x18080] =	vst v63  }
0x16c: {  	_ = 	snop  }
0x16d: {  	[tilespmem:s10], [sflag:$0x1] =	stream.indirect_vreg.gather [hbm4b:s4+s3], $0x80, v3, vm0, $0xb8;
	[tilespmem:$0x18080] =	vst v63  }
0x16e: {  	_ = 	snop  }
0x16f: {  	[tilespmem:s9], [sflag:$0x1] =	stream.indirect_vreg.gather [hbm4b:s5+s3], $0x80, v3, vm0, $0xb8;
	[tilespmem:$0x18080] =	vst v63  }
0x170: {  	s12 =	simm.s32 $0xB880  }
0x171: {  	[tilespmem:s12], [sflag:$0x1] =	stream.indirect_vreg.gather [hbm4b:s6+s3], $0x80, v3, vm0, $0xb8;
	[tilespmem:$0x18080] =	vst v63  }
0x172: {  	v3 =	vld [tilespmem:$0x30];
	_ =	sdelay $0x4  }
0x173: {  	v61 =	vshll.u32 v3, $0x3  }
0x174: {  	v3 =	vand.u32 $0x7, v3;
	v4 =	vand.u32 $0xFFFFFFC0, v61  }
0x175: {  	v3 =	vor.u32 v3, v4  }
0x176: {  	v4 =	vperm.xlane v3, v0;
	_ =	sdelay $0x1  }
0x177: {  	v4 =	vadd.s32 v1, v4;
	_ =	sdelay $0x3  }
0x178: {  	s9 =	simm.s32 $0xC080  }
0x179: {  	[tilespmem:s9], [sflag:$0x1] =	stream.indirect_vreg.gather [hbm4b:s2+s3], $0x80, v4, vm0, $0xb8;
	[tilespmem:$0x18080] =	vst v63  }
0x17a: {  	s12 =	simm.s32 $0xC880;
	v3 =	vperm.xlane v3, v2  }
0x17b: {  	[tilespmem:s12], [sflag:$0x1] =	stream.indirect_vreg.gather [hbm4b:s4+s3], $0x80, v4, vm0, $0xb8;
	[tilespmem:$0x18080] =	vst v63  }
0x17c: {  	v3 =	vadd.s32 v1, v3;
	s9 =	simm.s32 $0xD080  }
0x17d: {  	[tilespmem:s9], [sflag:$0x1] =	stream.indirect_vreg.gather [hbm4b:s5+s3], $0x80, v4, vm0, $0xb8;
	[tilespmem:$0x18080] =	vst v63  }
0x17e: {  	s12 =	simm.s32 $0xD880  }
0x17f: {  	[tilespmem:s12], [sflag:$0x1] =	stream.indirect_vreg.gather [hbm4b:s6+s3], $0x80, v4, vm0, $0xb8;
	[tilespmem:$0x18080] =	vst v63  }
0x180: {  	s9 =	simm.s32 $0xE080  }
0x181: {  	[tilespmem:s9], [sflag:$0x1] =	stream.indirect_vreg.gather [hbm4b:s2+s3], $0x80, v3, vm0, $0xb8;
	[tilespmem:$0x18080] =	vst v63  }
0x182: {  	s12 =	simm.s32 $0xE880  }
0x183: {  	[tilespmem:s12], [sflag:$0x1] =	stream.indirect_vreg.gather [hbm4b:s4+s3], $0x80, v3, vm0, $0xb8;
	[tilespmem:$0x18080] =	vst v63  }
0x184: {  	s9 =	simm.s32 $0xF080  }
0x185: {  	[tilespmem:s9], [sflag:$0x1] =	stream.indirect_vreg.gather [hbm4b:s5+s3], $0x80, v3, vm0, $0xb8;
	[tilespmem:$0x18080] =	vst v63  }
0x186: {  	s12 =	simm.s32 $0xF880  }
0x187: {  	[tilespmem:s12], [sflag:$0x1] =	stream.indirect_vreg.gather [hbm4b:s6+s3], $0x80, v3, vm0, $0xb8;
	[tilespmem:$0x18080] =	vst v63  }
0x188: {  	v3 =	vld [tilespmem:$0x40];
	_ =	sdelay $0x4  }
0x189: {  	v62 =	vshll.u32 v3, $0x3  }
0x18a: {  	v3 =	vand.u32 $0x7, v3;
	v4 =	vand.u32 $0xFFFFFFC0, v62  }
0x18b: {  	v3 =	vor.u32 v3, v4  }
0x18c: {  	v4 =	vperm.xlane v3, v0;
	_ =	sdelay $0x1  }
0x18d: {  	v4 =	vadd.s32 v1, v4;
	_ =	sdelay $0x3  }
0x18e: {  	s9 =	simm.s32 $0x10080  }
0x18f: {  	[tilespmem:s9], [sflag:$0x1] =	stream.indirect_vreg.gather [hbm4b:s2+s3], $0x80, v4, vm0, $0xb8;
	[tilespmem:$0x18080] =	vst v63  }
0x190: {  	s12 =	simm.s32 $0x10880;
	v3 =	vperm.xlane v3, v2  }
0x191: {  	[tilespmem:s12], [sflag:$0x1] =	stream.indirect_vreg.gather [hbm4b:s4+s3], $0x80, v4, vm0, $0xb8;
	[tilespmem:$0x18080] =	vst v63  }
0x192: {  	v3 =	vadd.s32 v1, v3;
	s9 =	simm.s32 $0x11080  }
0x193: {  	[tilespmem:s9], [sflag:$0x1] =	stream.indirect_vreg.gather [hbm4b:s5+s3], $0x80, v4, vm0, $0xb8;
	[tilespmem:$0x18080] =	vst v63  }
0x194: {  	s12 =	simm.s32 $0x11880  }
0x195: {  	[tilespmem:s12], [sflag:$0x1] =	stream.indirect_vreg.gather [hbm4b:s6+s3], $0x80, v4, vm0, $0xb8;
	[tilespmem:$0x18080] =	vst v63  }
0x196: {  	s9 =	simm.s32 $0x12080  }
0x197: {  	[tilespmem:s9], [sflag:$0x1] =	stream.indirect_vreg.gather [hbm4b:s2+s3], $0x80, v3, vm0, $0xb8;
	[tilespmem:$0x18080] =	vst v63  }
0x198: {  	s12 =	simm.s32 $0x12880  }
0x199: {  	[tilespmem:s12], [sflag:$0x1] =	stream.indirect_vreg.gather [hbm4b:s4+s3], $0x80, v3, vm0, $0xb8;
	[tilespmem:$0x18080] =	vst v63  }
0x19a: {  	s9 =	simm.s32 $0x13080  }
0x19b: {  	[tilespmem:s9], [sflag:$0x1] =	stream.indirect_vreg.gather [hbm4b:s5+s3], $0x80, v3, vm0, $0xb8;
	[tilespmem:$0x18080] =	vst v63  }
0x19c: {  	s12 =	simm.s32 $0x13880  }
0x19d: {  	[tilespmem:s12], [sflag:$0x1] =	stream.indirect_vreg.gather [hbm4b:s6+s3], $0x80, v3, vm0, $0xb8;
	[tilespmem:$0x18080] =	vst v63  }
0x19e: {  	v3 =	vld [tilespmem:$0x50];
	_ =	sdelay $0x4  }
0x19f: {  	v63 =	vshll.u32 v3, $0x3  }
0x1a0: {  	v3 =	vand.u32 $0x7, v3;
	v4 =	vand.u32 $0xFFFFFFC0, v63  }
0x1a1: {  	v3 =	vor.u32 v3, v4  }
0x1a2: {  	v4 =	vperm.xlane v3, v0;
	_ =	sdelay $0x1  }
0x1a3: {  	v4 =	vadd.s32 v1, v4;
	_ =	sdelay $0x3  }
0x1a4: {  	s9 =	simm.s32 $0x14080  }
0x1a5: {  	[tilespmem:s9], [sflag:$0x1] =	stream.indirect_vreg.gather [hbm4b:s2+s3], $0x80, v4, vm0, $0xb8;
	[tilespmem:$0x18080] =	vst v63  }
0x1a6: {  	s12 =	simm.s32 $0x14880;
	v3 =	vperm.xlane v3, v2  }
0x1a7: {  	[tilespmem:s12], [sflag:$0x1] =	stream.indirect_vreg.gather [hbm4b:s4+s3], $0x80, v4, vm0, $0xb8;
	[tilespmem:$0x18080] =	vst v63  }
0x1a8: {  	v3 =	vadd.s32 v1, v3;
	s9 =	simm.s32 $0x15080  }
0x1a9: {  	[tilespmem:s9], [sflag:$0x1] =	stream.indirect_vreg.gather [hbm4b:s5+s3], $0x80, v4, vm0, $0xb8;
	[tilespmem:$0x18080] =	vst v63  }
0x1aa: {  	s12 =	simm.s32 $0x15880  }
0x1ab: {  	[tilespmem:s12], [sflag:$0x1] =	stream.indirect_vreg.gather [hbm4b:s6+s3], $0x80, v4, vm0, $0xb8;
	[tilespmem:$0x18080] =	vst v63  }
0x1ac: {  	s9 =	simm.s32 $0x16080  }
0x1ad: {  	[tilespmem:s9], [sflag:$0x1] =	stream.indirect_vreg.gather [hbm4b:s2+s3], $0x80, v3, vm0, $0xb8;
	[tilespmem:$0x18080] =	vst v63  }
0x1ae: {  	s12 =	simm.s32 $0x16880  }
0x1af: {  	[tilespmem:s12], [sflag:$0x1] =	stream.indirect_vreg.gather [hbm4b:s4+s3], $0x80, v3, vm0, $0xb8;
	[tilespmem:$0x18080] =	vst v63  }
0x1b0: {  	s9 =	simm.s32 $0x17080  }
0x1b1: {  	[tilespmem:s9], [sflag:$0x1] =	stream.indirect_vreg.gather [hbm4b:s5+s3], $0x80, v3, vm0, $0xb8;
	[tilespmem:$0x18080] =	vst v63  }
0x1b2: {  	s12 =	simm.s32 $0x17880  }
0x1b3: {  	[tilespmem:s12], [sflag:$0x1] =	stream.indirect_vreg.gather [hbm4b:s6+s3], $0x80, v3, vm0, $0xb8;
	[tilespmem:$0x18080] =	vst v63  }
0x1b4: {  	_ =	swait.ge [sflag:s11], $0x18000  }
0x1b5: {  	p0 =	sne.s32 s7, $0x1;
	[sflag:s11] =	ssyncset.done $0x0  }
.Ltmp0:
0x1b6: {  	s9 =	rddreg [dreg:$0x8];
	[sflag:s11] =	ssyncadd.s32 $0xFFFE8000;
	(pc) =	sbr.rel @p0 .LBB2_1-.Ltmp0, $4  }
0x1b7: {  	[hbm4b:s9+s3] =	stream.linear.scatter [tilespmem:s0], [sflag:$0x2], $0x18000, $0x38;
	[tilespmem:$0x18080] =	vst v63  }
0x1b8: {  	_ =	swait.ge [sflag:s8], $0x18000  }
0x1b9: {  	[sflag:s8] =	ssyncset.done $0x0  }
0x1ba: {  	s7 =	sadd.s32 $0xFFFFFFFF, s7;
	[sflag:s8] =	ssyncadd.s32 $0xFFFE8000  }
0x1bb: {  	_ =	sfence.sel $0x180000  }
0x1bc: {  	[bflag:$0x0] =	sbarrier.arrive $0xFFFF  }
0x1bd: {  	_ =	strace $0x9000004A  }
0x1be: {  	s0 =	stileid.u32;
	[bflag:$0x2] =	sbarrier.arrive $0xFFFF  }
0x1bf: {  	p0 =	sne.s32 s0, $0x0;
	s0 =	rddreg [dreg:$0x2]  }
0x1c0: {  	s0 =	sadd.s32 @!p0 $0x100000, s0  }
0x1c1: {  	[sflag:s0] =	ssyncadd.tile.s32 @!p0 $0x1;
	_ =	shalt  }
.Lfunc_end2:
_tile_overlayer_lowered:
.L_overlay_start_2:
0x1c2: {  	(tag) =	ssettag $0x2  }
0x1c3: {  	s0 =	rddreg [dreg:$0x0];
	s2 =	stileid.u32  }
0x1c4: {  	s1 =	rddreg [dreg:$0x1];
	p0 =	sne.s32 s2, $0x0  }
0x1c5: {  	s3 =	rddreg [dreg:$0x2];
	[bflag:$0x3] =	sbarrier.arrive $0xFFFF;
	s2 =	simm.s32 @!p0 $0x1C02  }
0x1c6: {  	[timem:s3], [sflag:s2] =	dma.local @!p0 [hbm:s0], s1  }
0x1c7: {  	s0 =	simm.s32 @!p0 $0x2  }
0x1c8: {  	_ =	swait.ge @!p0 [sflag:s0], s1  }
0x1c9: {  	s1 =	ssub.s32 @!p0 $0x0, s1;
	[sflag:s0] =	ssyncset.done @!p0 $0x0  }
0x1ca: {  	[sflag:s0] =	ssyncadd.s32 @!p0 s1  }
0x1cb: {  	[bflag:$0x3] =	sbarrier.arrive $0xFFFF  }
0x1cc: {  	_ =	shalt  }

// kernel: kernel.9.cloned.1.call-start
scs
__scs_entry_jumppad:
0x0: {  	(pc) =	sbr.rel $0x88, $3  }
0x1: {  	(tag) =	ssettag $0x0;
	lr =	simm.s32 $0x1  }
0x2: {  	[smem:$0x3F99] =	sst lr;
	_ =	strace $0xD0000000  }
0x3: {  	_ = 	snop  }
0x4: {  	_ = 	snop  }
0x5: {  	_ = 	snop  }
0x6: {  	_ = 	snop  }
0x7: {  	_ = 	snop  }
__scs_overlays_trampoline_lowered:
0x8: {  	[smem:$0x3FA8] =	sst s0  }
0x9: {  	[smem:$0x3FA9] =	sst s1  }
0xa: {  	[smem:$0x3FAA] =	sst s2  }
0xb: {  	[smem:$0x3FAB] =	sst s3  }
0xc: {  	[smem:$0x3FAC] =	sst s4  }
0xd: {  	[smem:$0x3FAD] =	sst s5  }
0xe: {  	[smem:$0x3FAE] =	sst s6  }
0xf: {  	[smem:$0x3FAF] =	sst s7  }
0x10: {  	[smem:$0x3FB0] =	sst s8  }
0x11: {  	[smem:$0x3FB1] =	sst s9;
	s0 =	simm.s32 @!p0 $0x0  }
0x12: {  	s1 =	sld [smem:$0x3F97];
	s0 =	simm.s32 @p0 $0x1  }
0x13: {  	[smem:$0x3FB2] =	sst s0;
	s0 =	simm.s32 @!p1 $0x0  }
0x14: {  	s2 =	sld [smem:$0x3F96];
	s0 =	simm.s32 @p1 $0x1  }
0x15: {  	[smem:$0x3FB3] =	sst s0;
	s0 =	simm.s32 @!p2 $0x0  }
0x16: {  	s3 =	sld [smem:$0x3FDB];
	s0 =	simm.s32 @p2 $0x1  }
0x17: {  	s4 =	simm.s32 $0x1BF5;
	[smem:$0x3FB5] =	sst s0  }
0x18: {  	s0 =	sld [smem:$0x3F98];
	_ =	swait.ge [sflag:s4], $0x0  }
0x19: {  	s7 =	sld [smem:$0x3F99]  }
0x1a: {  	s8 =	sadd.s32 $0xFFFFE003, lr  }
0x1b: {  	s9 =	sadd.s32 $0xFFFFFEF7, lr;
	s5 =	simm.s32 $0xFFFFFFFF;
	p2 =	slt.u32 s8, $0xFFFFF086  }
0x1c: {  	p1 =	slt.u32 s9, $0xF7A;
	s5 =	simm.s32 @!p2 $0x0  }
0x1d: {  	s5 =	simm.s32 @p1 $0x1;
	p0 =	seq.s32 s7, s2  }
0x1e: {  	s7 =	smul.u32 @!p0 $0xF7A, s2;
	p2 =	seq.s32 @!p0 s5, $0x0  }
0x1f: {  	s9 =	smul.u32 $0xF7A, s1;
	s8 =	simm.s32 @!p0 $0x1BF5;
	p2 =	por !p2, p0  }
0x20: {  	[sflag:s8] =	ssyncset.s32 @!p0 $0xFFFFF086;
	s6 =	sadd.s32 @!p0 s3, s7;
	s7 =	simm.s32 @!p0 $0x108  }
0x21: {  	s3 =	sadd.s32 s3, s9;
	s6 =	sadd.s32 @!p0 $0x88, s6;
	s7 =	simm.s32 @p2 $0x1082  }
0x22: {  	[simem:s7], [sflag:s8] =	dma.local @!p0 [hbm:s6], $0xF7A  }
0x23: {  	s9 =	sor.u32 $0xD0000000, s2;
	s6 =	simm.s32 $0x108;
	_ =	swait.ge @!p0 [sflag:s8], $0x0  }
0x24: {  	s3 =	sadd.s32 $0x88, s3;
	s6 =	simm.s32 @!p1 $0x1082;
	[sflag:s4] =	ssyncset.s32 $0xFFFFF086  }
0x25: {  	[simem:s6], [sflag:s4] =	dma.local [hbm:s3], $0xF7A  }
0x26: {  	[smem:$0x3F99] =	sst s1;
	(tag) =	ssettag s2;
	_ =	strace s9  }
0x27: {  	s1 =	sld [smem:$0x3FA9]  }
0x28: {  	s2 =	sld [smem:$0x3FAA]  }
0x29: {  	s4 =	sld [smem:$0x3FAC]  }
0x2a: {  	p0 =	seq.s32 s5, $0x0;
	s5 =	sld [smem:$0x3FAD]  }
0x2b: {  	s6 =	sld [smem:$0x3FAE]  }
0x2c: {  	s7 =	sld [smem:$0x3FAF]  }
0x2d: {  	s3 =	simm.s32 $0x108;
	s8 =	sld [smem:$0x3FB0]  }
0x2e: {  	s3 =	simm.s32 @!p0 $0x1082;
	s9 =	sld [smem:$0x3FB1]  }
0x2f: {  	lr =	sadd.s32 s0, s3;
	s0 =	sld [smem:$0x3FA8]  }
0x30: {  	s3 =	sld [smem:$0x3FAB]  }
0x31: {  	[smem:$0x3FB4] =	sst s10  }
0x32: {  	s10 =	sld [smem:$0x3FB2];
	_ =	sdelay $0x3  }
0x33: {  	p0 =	seq.s32 s10, $0x1;
	s10 =	sld [smem:$0x3FB4];
	_ =	sdelay $0x3  }
0x34: {  	[smem:$0x3FB4] =	sst s10  }
0x35: {  	s10 =	sld [smem:$0x3FB3];
	_ =	sdelay $0x3  }
0x36: {  	p1 =	seq.s32 s10, $0x1;
	s10 =	sld [smem:$0x3FB4];
	_ =	sdelay $0x3  }
0x37: {  	[smem:$0x3FB4] =	sst s10  }
0x38: {  	s10 =	sld [smem:$0x3FB5]  }
0x39: {  	_ = 	snop;
	(pc) =	sbr.ind lr, $3  }
0x3a: {  	_ = 	snop  }
0x3b: {  	_ = 	snop  }
0x3c: {  	p2 =	seq.s32 s10, $0x1;
	s10 =	sld [smem:$0x3FB4]  }
0x3d: {  	_ =	shalt  }
0x3e: {  	_ =	shalt  }
0x3f: {  	_ =	shalt  }
0x40: {  	_ =	shalt  }
0x41: {  	_ =	shalt  }
0x42: {  	_ =	shalt  }
0x43: {  	_ =	shalt  }
0x44: {  	_ =	shalt  }
0x45: {  	_ =	shalt  }
0x46: {  	_ =	shalt  }
0x47: {  	_ =	shalt  }
0x48: {  	_ =	shalt  }
0x49: {  	_ =	shalt  }
0x4a: {  	_ =	shalt  }
0x4b: {  	_ =	shalt  }
0x4c: {  	_ =	shalt  }
0x4d: {  	_ =	shalt  }
0x4e: {  	_ =	shalt  }
0x4f: {  	_ =	shalt  }
0x50: {  	_ =	shalt  }
0x51: {  	_ =	shalt  }
0x52: {  	_ =	shalt  }
0x53: {  	_ =	shalt  }
0x54: {  	_ =	shalt  }
0x55: {  	_ =	shalt  }
0x56: {  	_ =	shalt  }
0x57: {  	_ =	shalt  }
0x58: {  	_ =	shalt  }
0x59: {  	_ =	shalt  }
0x5a: {  	_ =	shalt  }
0x5b: {  	_ =	shalt  }
0x5c: {  	_ =	shalt  }
0x5d: {  	_ =	shalt  }
0x5e: {  	_ =	shalt  }
0x5f: {  	_ =	shalt  }
0x60: {  	_ =	shalt  }
0x61: {  	_ =	shalt  }
0x62: {  	_ =	shalt  }
0x63: {  	_ =	shalt  }
0x64: {  	_ =	shalt  }
0x65: {  	_ =	shalt  }
0x66: {  	_ =	shalt  }
0x67: {  	_ =	shalt  }
0x68: {  	_ =	shalt  }
0x69: {  	_ =	shalt  }
0x6a: {  	_ =	shalt  }
0x6b: {  	_ =	shalt  }
0x6c: {  	_ =	shalt  }
0x6d: {  	_ =	shalt  }
0x6e: {  	_ =	shalt  }
0x6f: {  	_ =	shalt  }
0x70: {  	_ =	shalt  }
0x71: {  	_ =	shalt  }
0x72: {  	_ =	shalt  }
0x73: {  	_ =	shalt  }
0x74: {  	_ =	shalt  }
0x75: {  	_ =	shalt  }
0x76: {  	_ =	shalt  }
0x77: {  	_ =	shalt  }
0x78: {  	_ =	shalt  }
0x79: {  	_ =	shalt  }
0x7a: {  	_ =	shalt  }
0x7b: {  	_ =	shalt  }
0x7c: {  	_ =	shalt  }
0x7d: {  	_ =	shalt  }
0x7e: {  	_ =	shalt  }
0x7f: {  	_ =	shalt  }
0x80: {  	_ =	shalt  }
0x81: {  	_ =	shalt  }
0x82: {  	_ =	shalt  }
0x83: {  	_ =	shalt  }
0x84: {  	_ =	shalt  }
0x85: {  	_ =	shalt  }
0x86: {  	_ =	shalt  }
0x87: {  	_ =	shalt  }
.Lfunc_end0:
.L_simem_size_0:
called_computation.2_lowered:
.L_overlay_start_0:
0x88: {  	s2 =	sld [smem:$0x3FD9]  }
0x89: {  	s3 =	sld [smem:$0x3FFE];
	_ =	sdelay $0x1  }
0x8a: {  	s1 =	srdreg.scid  }
0x8b: {  	s0 =	sand.u32 $0x1, s1  }
0x8c: {  	s17 =	sshll.u32 s0, $0xA;
	s2 =	sadd.s32 s3, s2  }
0x8d: {  	s2 =	sadd.s32 s2, s17  }
0x8e: {  	[smem:$0x3FC0] =	sst s2  }
0x8f: {  	_ = 	snop  }
0x90: {  	s2 =	sld [smem:$0x3FD0];
	(tm) =	ssettm $0x1  }
0x91: {  	s18 =	sld [smem:$0x3FFB];
	_ =	sdelay $0x3  }
0x92: {  	_ =	strace s18  }
0x93: {  	s3 =	sld [smem:$0x3FFC];
	_ =	sdelay $0x3  }
0x94: {  	_ =	strace s3  }
0x95: {  	s3 =	sld [smem:$0x3FFD];
	_ =	sdelay $0x3  }
0x96: {  	_ =	strace s3  }
0x97: {  	_ =	strace $0x8FFFFFFF  }
0x98: {  	s19 =	sld [smem:$0x3FDB];
	_ =	sdelay $0x1  }
0x99: {  	s4 =	simm.s32 $_scs_section_size  }
0x9a: {  	s5 =	simm.s32 $_size__tile_overlayer_lowered;
	s6 =	simm.s32 $_tile_overlayer_lowered  }
0x9b: {  	s22 =	simm.s32 $0x1BFF;
	s21 =	sshll.u32 s6, $0x1;
	s3 =	sadd.s32 s4, s19  }
0x9c: {  	s7 =	simm.s32 $0x0;
	s20 =	sshll.u32 s5, $0x1;
	s5 =	sadd.s32 s21, s3  }
0x9d: {  	[timem:s7], [sflag:s22] =	dma.local [hbm:s5], s20  }
0x9e: {  	_ =	swait.ge [sflag:s22], s20  }
0x9f: {  	s4 =	ssub.s32 $0x0, s20;
	[sflag:s22] =	ssyncset.done $0x0  }
0xa0: {  	[sflag:s22] =	ssyncadd.s32 s4;
	_ =	sdelay $0x1  }
0xa1: {  	s23 =	simm.s32 $0x1B8B  }
0xa2: {  	_ =	swait.ge [sflag:s23], $0x1  }
0xa3: {  	[sflag:s23] =	ssyncset.done $0x0  }
0xa4: {  	s25 =	simm.s32 $0x1B8E;
	s24 =	sld [smem:$0x3FFE];
	[sflag:s23] =	ssyncadd.s32 $0xFFFFFFFF  }
0xa5: {  	s26 =	simm.s32 $execute0_lowered;
	[smem:$0x3FD2] =	sst s25  }
0xa6: {  	s5 =	sshll.u32 s26, $0x1;
	_ =	strace $0x8000004C;
	[dreg:$0x1] =	wrdreg $0xFFFFFFFF  }
0xa7: {  	s28 =	simm.s32 $_size_execute0_lowered;
	s3 =	sadd.s32 s3, s5;
	[dreg:$0x0] =	wrdreg $0x0  }
0xa8: {  	s5 =	sshll.u32 s28, $0x1;
	[dreg:$0x2] =	wrdreg s3  }
0xa9: {  	[dreg:$0x3] =	wrdreg s5  }
0xaa: {  	[dreg:$0x4] =	wrdreg $0xC0  }
0xab: {  	_ =	task [dreg:s7], $0x5FFFF  }
0xac: {  	[dreg:$0x1] =	wrdreg $0xFFFFFFFF  }
0xad: {  	[dreg:$0x0] =	wrdreg $0x60  }
0xae: {  	[dreg:$0x2] =	wrdreg s24  }
0xaf: {  	[dreg:$0x3] =	wrdreg s2  }
0xb0: {  	[dreg:$0x4] =	wrdreg $0x9  }
0xb1: {  	_ =	task.clear_ibuf [dreg:s7], $0x5FFFF;
	_ =	strace $0x9000004C  }
0xb2: {  	s29 =	simm.s32 $0x9;
	_ =	strace $0x8000004E  }
0xb3: {  	_ =	swait.ge [sflag:s29], $0x1  }
0xb4: {  	[sflag:s29] =	ssyncadd.s32 $0xFFFFFFFF  }
0xb5: {  	_ =	strace $0x9000004E  }
0xb6: {  	_ =	sfence  }
0xb7: {  	s30 =	sld [smem:$0x0];
	_ =	sdelay $0x2  }
0xb8: {  	s31 =	sshll.u32 s1, $0xD;
	s1 =	sshrl.u32 s1, $0x2  }
0xb9: {  	s3 =	sand.u32 $0x4000, s31;
	s1 =	sadd.s32 s1, s30  }
0xba: {  	s0 =	sor.u32 s3, s0;
	s1 =	sshll.u32 s1, $0x11  }
0xbb: {  	s0 =	sor.u32 s1, s0  }
0xbc: {  	s0 =	sadd.s32 $0x8F2B, s0  }
0xbd: {  	[sflag:s0] =	ssyncadd.remote.s32 $0x1  }
0xbe: {  	_ =	sfence.sel $0xFFFF  }
0xbf: {  	[dreg:$0x0] =	wrdreg $0xFFFFFFFF;
	(pc) =	sbr.abs _section_cstart, $3  }
0xc0: {  	[dreg:$0x1] =	wrdreg $0xFFFFFFFF  }
0xc1: {  	_ =	task.clear_ibuf [dreg:s7], $0x2FFFF;
	_ =	strace $0x9FFFFFFF  }
0xc2: {  	(tm) =	ssettm $0x7FFFFFFF  }
0xc3: {  	_ =	shalt  }
tec
execute0_lowered:
.L_overlay_start_1:
0x0: {  	(tag) =	ssettag $0x1  }
0x1: {  	s0 =	rddreg [dreg:$0x0];
	s1 =	simm.s32 $0x0  }
0x2: {  	s30 =	srdreg.scid;
	s7 =	stileid.u32;
	s12 =	simm.s32 $0x2  }
0x3: {  	s13 =	simm.s32 $0xB880;
	s14 =	simm.s32 $0xC080;
	s15 =	simm.s32 $0xC880  }
0x4: {  	s16 =	simm.s32 $0xD080;
	s17 =	simm.s32 $0xD880;
	s18 =	simm.s32 $0xE080  }
0x5: {  	s19 =	simm.s32 $0xE880;
	s20 =	simm.s32 $0xF080;
	s21 =	simm.s32 $0xF880  }
0x6: {  	s22 =	simm.s32 $0x1;
	s23 =	simm.s32 $0x10080;
	s25 =	simm.s32 $0x0  }
0x7: {  	[smem:$0x7FF] =	sst s1;
	s4 =	sadd.s32 $0x421600, s0;
	s1 =	sand.u32 $0x1, s30  }
0x8: {  	s5 =	sadd.s32 $0x4A1600, s0;
	s6 =	sadd.s32 $0x1200, s0;
	s2 =	ssub.s32 $0x2, s1  }
0x9: {  	s7 =	sshll.u32 s7, $0x8;
	s8 =	sadd.s32 $0x4A1700, s0;
	s3 =	sshrl.u32 s2, $0x1  }
0xa: {  	v2 =	vlaneseq.u32;
	s9 =	sadd.s32 $0x4A1800, s0;
	s10 =	sadd.s32 $0x4A1900, s0;
	s2 =	ssub.s32 s2, s3  }
0xb: {  	vm0 =	vmmov $0xffff;
	v1 =	vshrl.u32 v2, $0x3;
	_ =	strace $0x8000004D;
	s1 =	sshll.u32 s1, $0x7;
	s31 =	smax.u32 s2, $0x1  }
0xc: {  	v0 =	vand.u32 $0x7, v2;
	v2 =	vor.u32 $0x8, v2;
	v1 =	vmul.u32 $0x8, v1;
	s7 =	sor.u32 s1, s7;
	s1 =	simm.s32 $0x0;
	[dreg:$0x3] =	wrdreg s31  }
.LBB2_1:
0xd: {  	[dreg:$0x4] =	wrdreg s1;
	s24 =	simm.s32 $0x0  }
.LBB2_2:
0xe: {  	s0 =	sshll.u32 s24, $0x5  }
0xf: {  	s26 =	sadd.s32 s7, s0  }
0x10: {  	s0 =	sshrl.u32 s26, $0x2  }
0x11: {  	s0 =	sadd.s32 s6, s0  }
0x12: {  	[tilespmem:s25], [sflag:$0x2] =	stream.linear.gather [hbm4b:s0+s25], $0x40, $0x38;
	[tilespmem:$0x18080] =	vst v63  }
0x13: {  	_ =	swait.ge [sflag:s12], $0x40  }
0x14: {  	[sflag:s12] =	ssyncset.done $0x0  }
0x15: {  	[sflag:s12] =	ssyncadd.s32 $0xFFFFFFC0  }
0x16: {  	v3 =	vld [tilespmem:$0x0];
	_ =	sdelay $0x4  }
0x17: {  	v4 =	vshll.u32 v3, $0x3  }
0x18: {  	v3 =	vand.u32 $0x7, v3;
	v4 =	vand.u32 $0xFFFFFFC0, v4  }
0x19: {  	v3 =	vor.u32 v3, v4  }
0x1a: {  	v4 =	vperm.xlane v3, v0;
	_ =	sdelay $0x1  }
0x1b: {  	v4 =	vadd.s32 v1, v4;
	_ =	sdelay $0x3  }
0x1c: {  	s29 =	simm.s32 $0x80  }
0x1d: {  	[tilespmem:s29], [sflag:$0x1] =	stream.indirect_vreg.gather [hbm4b:s5+s25], $0x80, v4, vm0, $0xb8;
	[tilespmem:$0x18080] =	vst v63  }
0x1e: {  	s30 =	simm.s32 $0x880;
	v3 =	vperm.xlane v3, v2  }
0x1f: {  	[tilespmem:s30], [sflag:$0x1] =	stream.indirect_vreg.gather [hbm4b:s8+s25], $0x80, v4, vm0, $0xb8;
	[tilespmem:$0x18080] =	vst v63  }
0x20: {  	s31 =	simm.s32 $0x1080;
	v3 =	vadd.s32 v1, v3  }
0x21: {  	[tilespmem:s31], [sflag:$0x1] =	stream.indirect_vreg.gather [hbm4b:s9+s25], $0x80, v4, vm0, $0xb8;
	[tilespmem:$0x18080] =	vst v63  }
0x22: {  	s1 =	simm.s32 $0x1880  }
0x23: {  	[tilespmem:s1], [sflag:$0x1] =	stream.indirect_vreg.gather [hbm4b:s10+s25], $0x80, v4, vm0, $0xb8;
	[tilespmem:$0x18080] =	vst v63  }
0x24: {  	s2 =	simm.s32 $0x2080  }
0x25: {  	[tilespmem:s2], [sflag:$0x1] =	stream.indirect_vreg.gather [hbm4b:s5+s25], $0x80, v3, vm0, $0xb8;
	[tilespmem:$0x18080] =	vst v63  }
0x26: {  	s3 =	simm.s32 $0x2880  }
0x27: {  	[tilespmem:s3], [sflag:$0x1] =	stream.indirect_vreg.gather [hbm4b:s8+s25], $0x80, v3, vm0, $0xb8;
	[tilespmem:$0x18080] =	vst v63  }
0x28: {  	s11 =	simm.s32 $0x3080  }
0x29: {  	[tilespmem:s11], [sflag:$0x1] =	stream.indirect_vreg.gather [hbm4b:s9+s25], $0x80, v3, vm0, $0xb8;
	[tilespmem:$0x18080] =	vst v63  }
0x2a: {  	s29 =	simm.s32 $0x3880  }
0x2b: {  	[tilespmem:s29], [sflag:$0x1] =	stream.indirect_vreg.gather [hbm4b:s10+s25], $0x80, v3, vm0, $0xb8;
	[tilespmem:$0x18080] =	vst v63  }
0x2c: {  	v3 =	vld [tilespmem:$0x10];
	_ =	sdelay $0x4  }
0x2d: {  	v61 =	vshll.u32 v3, $0x3  }
0x2e: {  	v3 =	vand.u32 $0x7, v3;
	v4 =	vand.u32 $0xFFFFFFC0, v61  }
0x2f: {  	v3 =	vor.u32 v3, v4  }
0x30: {  	v4 =	vperm.xlane v3, v0;
	_ =	sdelay $0x1  }
0x31: {  	v4 =	vadd.s32 v1, v4;
	_ =	sdelay $0x3  }
0x32: {  	s30 =	simm.s32 $0x4080  }
0x33: {  	[tilespmem:s30], [sflag:$0x1] =	stream.indirect_vreg.gather [hbm4b:s5+s25], $0x80, v4, vm0, $0xb8;
	[tilespmem:$0x18080] =	vst v63  }
0x34: {  	s31 =	simm.s32 $0x4880;
	v3 =	vperm.xlane v3, v2  }
0x35: {  	[tilespmem:s31], [sflag:$0x1] =	stream.indirect_vreg.gather [hbm4b:s8+s25], $0x80, v4, vm0, $0xb8;
	[tilespmem:$0x18080] =	vst v63  }
0x36: {  	s1 =	simm.s32 $0x5080;
	v3 =	vadd.s32 v1, v3  }
0x37: {  	[tilespmem:s1], [sflag:$0x1] =	stream.indirect_vreg.gather [hbm4b:s9+s25], $0x80, v4, vm0, $0xb8;
	[tilespmem:$0x18080] =	vst v63  }
0x38: {  	s2 =	simm.s32 $0x5880  }
0x39: {  	[tilespmem:s2], [sflag:$0x1] =	stream.indirect_vreg.gather [hbm4b:s10+s25], $0x80, v4, vm0, $0xb8;
	[tilespmem:$0x18080] =	vst v63  }
0x3a: {  	s3 =	simm.s32 $0x6080  }
0x3b: {  	[tilespmem:s3], [sflag:$0x1] =	stream.indirect_vreg.gather [hbm4b:s5+s25], $0x80, v3, vm0, $0xb8;
	[tilespmem:$0x18080] =	vst v63  }
0x3c: {  	s11 =	simm.s32 $0x6880  }
0x3d: {  	[tilespmem:s11], [sflag:$0x1] =	stream.indirect_vreg.gather [hbm4b:s8+s25], $0x80, v3, vm0, $0xb8;
	[tilespmem:$0x18080] =	vst v63  }
0x3e: {  	s29 =	simm.s32 $0x7080  }
0x3f: {  	[tilespmem:s29], [sflag:$0x1] =	stream.indirect_vreg.gather [hbm4b:s9+s25], $0x80, v3, vm0, $0xb8;
	[tilespmem:$0x18080] =	vst v63  }
0x40: {  	s30 =	simm.s32 $0x7880  }
0x41: {  	[tilespmem:s30], [sflag:$0x1] =	stream.indirect_vreg.gather [hbm4b:s10+s25], $0x80, v3, vm0, $0xb8;
	[tilespmem:$0x18080] =	vst v63  }
0x42: {  	v3 =	vld [tilespmem:$0x20];
	_ =	sdelay $0x4  }
0x43: {  	v62 =	vshll.u32 v3, $0x3  }
0x44: {  	v3 =	vand.u32 $0x7, v3;
	v4 =	vand.u32 $0xFFFFFFC0, v62  }
0x45: {  	v3 =	vor.u32 v3, v4  }
0x46: {  	v4 =	vperm.xlane v3, v0;
	_ =	sdelay $0x1  }
0x47: {  	v4 =	vadd.s32 v1, v4;
	_ =	sdelay $0x3  }
0x48: {  	s31 =	simm.s32 $0x8080  }
0x49: {  	[tilespmem:s31], [sflag:$0x1] =	stream.indirect_vreg.gather [hbm4b:s5+s25], $0x80, v4, vm0, $0xb8;
	[tilespmem:$0x18080] =	vst v63  }
0x4a: {  	s1 =	simm.s32 $0x8880;
	v3 =	vperm.xlane v3, v2  }
0x4b: {  	[tilespmem:s1], [sflag:$0x1] =	stream.indirect_vreg.gather [hbm4b:s8+s25], $0x80, v4, vm0, $0xb8;
	[tilespmem:$0x18080] =	vst v63  }
0x4c: {  	s2 =	simm.s32 $0x9080;
	v3 =	vadd.s32 v1, v3  }
0x4d: {  	[tilespmem:s2], [sflag:$0x1] =	stream.indirect_vreg.gather [hbm4b:s9+s25], $0x80, v4, vm0, $0xb8;
	[tilespmem:$0x18080] =	vst v63  }
0x4e: {  	s3 =	simm.s32 $0x9880  }
0x4f: {  	[tilespmem:s3], [sflag:$0x1] =	stream.indirect_vreg.gather [hbm4b:s10+s25], $0x80, v4, vm0, $0xb8;
	[tilespmem:$0x18080] =	vst v63  }
0x50: {  	s11 =	simm.s32 $0xA080  }
0x51: {  	[tilespmem:s11], [sflag:$0x1] =	stream.indirect_vreg.gather [hbm4b:s5+s25], $0x80, v3, vm0, $0xb8;
	[tilespmem:$0x18080] =	vst v63  }
0x52: {  	s29 =	simm.s32 $0xA880  }
0x53: {  	[tilespmem:s29], [sflag:$0x1] =	stream.indirect_vreg.gather [hbm4b:s8+s25], $0x80, v3, vm0, $0xb8;
	[tilespmem:$0x18080] =	vst v63  }
0x54: {  	s30 =	simm.s32 $0xB080  }
0x55: {  	[tilespmem:s30], [sflag:$0x1] =	stream.indirect_vreg.gather [hbm4b:s9+s25], $0x80, v3, vm0, $0xb8;
	[tilespmem:$0x18080] =	vst v63  }
0x56: {  	_ = 	snop  }
0x57: {  	[tilespmem:s13], [sflag:$0x1] =	stream.indirect_vreg.gather [hbm4b:s10+s25], $0x80, v3, vm0, $0xb8;
	[tilespmem:$0x18080] =	vst v63  }
0x58: {  	v3 =	vld [tilespmem:$0x30];
	_ =	sdelay $0x4  }
0x59: {  	v63 =	vshll.u32 v3, $0x3  }
0x5a: {  	v3 =	vand.u32 $0x7, v3;
	v4 =	vand.u32 $0xFFFFFFC0, v63  }
0x5b: {  	v3 =	vor.u32 v3, v4  }
0x5c: {  	v4 =	vperm.xlane v3, v0;
	_ =	sdelay $0x1  }
0x5d: {  	v4 =	vadd.s32 v1, v4;
	_ =	sdelay $0x4  }
0x5e: {  	[tilespmem:s14], [sflag:$0x1] =	stream.indirect_vreg.gather [hbm4b:s5+s25], $0x80, v4, vm0, $0xb8;
	[tilespmem:$0x18080] =	vst v63  }
0x5f: {  	v3 =	vperm.xlane v3, v2  }
0x60: {  	[tilespmem:s15], [sflag:$0x1] =	stream.indirect_vreg.gather [hbm4b:s8+s25], $0x80, v4, vm0, $0xb8;
	[tilespmem:$0x18080] =	vst v63  }
0x61: {  	v3 =	vadd.s32 v1, v3  }
0x62: {  	[tilespmem:s16], [sflag:$0x1] =	stream.indirect_vreg.gather [hbm4b:s9+s25], $0x80, v4, vm0, $0xb8;
	[tilespmem:$0x18080] =	vst v63  }
0x63: {  	_ = 	snop  }
0x64: {  	[tilespmem:s17], [sflag:$0x1] =	stream.indirect_vreg.gather [hbm4b:s10+s25], $0x80, v4, vm0, $0xb8;
	[tilespmem:$0x18080] =	vst v63  }
0x65: {  	_ = 	snop  }
0x66: {  	[tilespmem:s18], [sflag:$0x1] =	stream.indirect_vreg.gather [hbm4b:s5+s25], $0x80, v3, vm0, $0xb8;
	[tilespmem:$0x18080] =	vst v63  }
0x67: {  	_ = 	snop  }
0x68: {  	[tilespmem:s19], [sflag:$0x1] =	stream.indirect_vreg.gather [hbm4b:s8+s25], $0x80, v3, vm0, $0xb8;
	[tilespmem:$0x18080] =	vst v63  }
0x69: {  	_ = 	snop  }
0x6a: {  	[tilespmem:s20], [sflag:$0x1] =	stream.indirect_vreg.gather [hbm4b:s9+s25], $0x80, v3, vm0, $0xb8;
	[tilespmem:$0x18080] =	vst v63  }
0x6b: {  	_ = 	snop  }
0x6c: {  	[tilespmem:s21], [sflag:$0x1] =	stream.indirect_vreg.gather [hbm4b:s10+s25], $0x80, v3, vm0, $0xb8;
	[tilespmem:$0x18080] =	vst v63  }
0x6d: {  	_ =	swait.ge [sflag:s22], $0x10000  }
0x6e: {  	s26 =	sshll.u32 s26, $0x7;
	[sflag:s22] =	ssyncset.done $0x0  }
0x6f: {  	s31 =	sadd.s32 s4, s26;
	[sflag:s22] =	ssyncadd.s32 $0xFFFF0000  }
0x70: {  	[tilespmem:s23], [sflag:$0x2] =	stream.linear.gather [hbm4b:s31+s25], $0x8000, $0x38;
	[tilespmem:$0x18080] =	vst v63  }
0x71: {  	_ =	swait.ge [sflag:s12], $0x8000  }
0x72: {  	[sflag:s12] =	ssyncset.done $0x0  }
0x73: {  	s28 =	simm.s32 $0x0;
	[sflag:s12] =	ssyncadd.s32 $0xFFFF8000  }
.LBB2_3:
0x74: {  	s0 =	sshll.u32 s28, $0xA;
	s1 =	sshll.u32 s28, $0x8;
	s2 =	sshll.u32 s28, $0xB  }
0x75: {  	s3 =	sshll.u32 s28, $0x7;
	s2 =	sand.u32 $0xE000, s2;
	s1 =	sand.u32 $0x300, s1  }
0x76: {  	s0 =	sand.u32 $0x6000, s0;
	s3 =	sand.u32 $0x380, s3;
	s1 =	sor.u32 s1, s2  }
0x77: {  	s0 =	sor.u32 s3, s0;
	s2 =	sand.u32 $0x1C00, s25;
	s29 =	sor.u32 $0x80, s1  }
0x78: {  	s11 =	sand.u32 $0x70, s25;
	s30 =	sadd.s32 $0x10080, s0;
	s3 =	sadd.s32 s2, s29  }
0x79: {  	s1 =	sadd.s32 s2, s30;
	s2 =	sadd.s32 s11, s3  }
0x7a: {  	s31 =	sadd.s32 s11, s1;
	v3 =	vld [tilespmem:s2+$0x0]  }
0x7b: {  	v4 =	vld [tilespmem:s31+$0x0];
	_ =	sdelay $0x1  }
0x7c: {  	v5 =	vld [tilespmem:s2+$0x80];
	_ =	sdelay $0x2  }
0x7d: {  	v3 =	vadd.f32 v3, v4  }
0x7e: {  	s0 =	simm.s32 $0x80  }
0x7f: {  	s11 =	simm.s32 $0x10;
	s1 =	sand.u32 $0x1C00, s0;
	v3 =	vadd.f32 v5, v3  }
0x80: {  	s3 =	simm.s32 $0x20;
	s11 =	sand.u32 $0x70, s11;
	s2 =	sadd.s32 s1, s29  }
.LBB2_4:
0x81: {  	p0 =	sne.s32 s3, $0x3F0;
	s1 =	sadd.s32 s1, s30;
	s2 =	sadd.s32 s11, s2;
	[tilespmem:s31+$0x0] =	vst v3  }
0x82: {  	s31 =	sadd.s32 s11, s1;
	v3 =	vld [tilespmem:s2+$0x0]  }
0x83: {  	v4 =	vld [tilespmem:s31+$0x0];
	_ =	sdelay $0x1  }
0x84: {  	v5 =	vld [tilespmem:s2+$0x80];
	_ =	sdelay $0x1  }
.Ltmp0:
0x85: {  	(pc) =	sbr.rel @p0 .LBB2_4-.Ltmp0, $4  }
0x86: {  	v3 =	vadd.f32 v3, v4  }
0x87: {  	s0 =	sadd.s32 $0x80, s0  }
0x88: {  	s1 =	sand.u32 $0x1C00, s0;
	v3 =	vadd.f32 v5, v3  }
0x89: {  	s11 =	sand.u32 $0x70, s3;
	s3 =	sadd.s32 $0x10, s3;
	s2 =	sadd.s32 s1, s29  }
0x8a: {  	s0 =	sadd.s32 s1, s30;
	s30 =	sadd.s32 s11, s2;
	[tilespmem:s31+$0x0] =	vst v3  }
0x8b: {  	s0 =	sadd.s32 s11, s0;
	v3 =	vld [tilespmem:s30+$0x0]  }
0x8c: {  	v4 =	vld [tilespmem:s0+$0x0];
	_ =	sdelay $0x1  }
0x8d: {  	v5 =	vld [tilespmem:s30+$0x80]  }
0x8e: {  	s28 =	sadd.s32 $0x1, s28  }
0x8f: {  	p0 =	sne.s32 s28, $0x20  }
.Ltmp1:
0x90: {  	v3 =	vadd.f32 v3, v4;
	(pc) =	sbr.rel @p0 .LBB2_3-.Ltmp1, $3  }
0x91: {  	_ = 	snop  }
0x92: {  	v3 =	vadd.f32 v5, v3;
	_ =	sdelay $0x1  }
0x93: {  	[tilespmem:s0+$0x0] =	vst v3  }
0x94: {  	s24 =	sadd.s32 $0x1, s24  }
0x95: {  	s0 =	rddreg [dreg:$0x1];
	p0 =	sne.s32 s24, $0x4  }
.Ltmp2:
0x96: {  	s1 =	simm.s32 $0x0;
	s0 =	sadd.s32 s0, s26;
	(pc) =	sbr.rel @p0 .LBB2_2-.Ltmp2, $4  }
0x97: {  	[hbm4b:s0+s1] =	stream.linear.scatter [tilespmem:s23], [sflag:$0x2], $0x8000, $0x38;
	[tilespmem:$0x18080] =	vst v63  }
0x98: {  	_ =	swait.ge [sflag:s12], $0x8000  }
0x99: {  	[sflag:s12] =	ssyncset.done $0x0  }
0x9a: {  	[sflag:s12] =	ssyncadd.s32 $0xFFFF8000  }
0x9b: {  	s1 =	rddreg [dreg:$0x4]  }
0x9c: {  	s0 =	rddreg [dreg:$0x3];
	s1 =	sadd.s32 $0x1, s1  }
0x9d: {  	p0 =	sne.s32 s1, s0  }
.Ltmp3:
0x9e: {  	_ = 	snop;
	(pc) =	sbr.rel @p0 .LBB2_1-.Ltmp3, $1  }
0x9f: {  	_ =	sdelay $0x3  }
0xa0: {  	_ =	sfence.sel $0x180000  }
0xa1: {  	[bflag:$0x0] =	sbarrier.arrive $0xFFFF  }
0xa2: {  	_ =	strace $0x9000004D  }
0xa3: {  	s0 =	stileid.u32;
	[bflag:$0x2] =	sbarrier.arrive $0xFFFF  }
0xa4: {  	p0 =	sne.s32 s0, $0x0;
	s0 =	rddreg [dreg:$0x2]  }
0xa5: {  	s0 =	sadd.s32 @!p0 $0x100000, s0  }
0xa6: {  	[sflag:s0] =	ssyncadd.tile.s32 @!p0 $0x1;
	_ =	shalt  }
.Lfunc_end2:
_tile_overlayer_lowered:
.L_overlay_start_2:
0xa7: {  	(tag) =	ssettag $0x2  }
0xa8: {  	s0 =	rddreg [dreg:$0x0];
	s2 =	stileid.u32  }
0xa9: {  	s1 =	rddreg [dreg:$0x1];
	p0 =	sne.s32 s2, $0x0  }
0xaa: {  	s3 =	rddreg [dreg:$0x2];
	[bflag:$0x3] =	sbarrier.arrive $0xFFFF;
	s2 =	simm.s32 @!p0 $0x1C02  }
0xab: {  	[timem:s3], [sflag:s2] =	dma.local @!p0 [hbm:s0], s1  }
0xac: {  	s0 =	simm.s32 @!p0 $0x2  }
0xad: {  	_ =	swait.ge @!p0 [sflag:s0], s1  }
0xae: {  	s1 =	ssub.s32 @!p0 $0x0, s1;
	[sflag:s0] =	ssyncset.done @!p0 $0x0  }
0xaf: {  	[sflag:s0] =	ssyncadd.s32 @!p0 s1  }
0xb0: {  	[bflag:$0x3] =	sbarrier.arrive $0xFFFF  }
0xb1: {  	_ =	shalt  }

</sc_bundles>
